<compile_context>
chip_gen: v7x
topology: tpu7x:2x2x1
jax: 0.10.2.dev20260603
libtpu: 0.0.44.dev20260713+nightly
codegen_flags: <defaults>
</compile_context>

<pallas_src>
import functools

import jax
import jax.numpy as jnp
from jax import lax
from jax.experimental import pallas as pl
from jax.experimental.pallas import tpu as pltpu
from jax.experimental.pallas import tpu_sc as plsc

_N = 65536
_NC = 2
_NS = 16
_NW = _NC * _NS
_L = 16

_CHUNK = 8192


def _make_interp(n_queries):
    q_tile = n_queries // _NW
    n_chunks = q_tile // _CHUNK
    mesh = plsc.VectorSubcoreMesh(core_axis_name="c", subcore_axis_name="s")

    @functools.partial(
        pl.kernel,
        out_type=jax.ShapeDtypeStruct((n_queries,), jnp.float32),
        mesh=mesh,
        scratch_types=[
            pltpu.VMEM((_N,), jnp.float32),
            pltpu.VMEM((_CHUNK,), jnp.float32),
            pltpu.VMEM((_CHUNK,), jnp.float32),
            pltpu.VMEM((_CHUNK,), jnp.float32),
            pltpu.VMEM((_CHUNK,), jnp.float32),
            pltpu.SemaphoreType.DMA,
            pltpu.SemaphoreType.DMA,
            pltpu.SemaphoreType.DMA,
            pltpu.SemaphoreType.DMA,
        ],
        compiler_params=pltpu.CompilerParams(needs_layout_passes=False),
    )
    def interp(
        table_hbm, q_hbm, out_hbm, table_v, qb0, qb1, ob0, ob1, qs0, qs1, os0, os1
    ):
        qbuf = (qb0, qb1)
        obuf = (ob0, ob1)
        qsem = (qs0, qs1)
        osem = (os0, os1)
        wid = lax.axis_index("s") * _NC + lax.axis_index("c")
        base = wid * q_tile

        pltpu.async_copy(q_hbm.at[pl.ds(base, _CHUNK)], qbuf[0], qsem[0])
        pltpu.sync_copy(table_hbm, table_v)

        for ci in range(n_chunks):
            b = ci & 1
            off = base + ci * _CHUNK
            if ci + 1 < n_chunks:
                pltpu.async_copy(
                    q_hbm.at[pl.ds(off + _CHUNK, _CHUNK)], qbuf[1 - b], qsem[1 - b]
                )
            pltpu.make_async_copy(
                q_hbm.at[pl.ds(off, _CHUNK)], qbuf[b], qsem[b]
            ).wait()
            if ci >= 2:
                pltpu.make_async_copy(
                    obuf[b], out_hbm.at[pl.ds(off - 2 * _CHUNK, _CHUNK)], osem[b]
                ).wait()
            qb = qbuf[b]
            ob = obuf[b]

            @plsc.parallel_loop(0, _CHUNK // _L, 1, unroll=4)
            def body(j):
                xf = qb[pl.ds(j * _L, _L)]
                t = xf * jnp.float32(_N - 1)
                i = jnp.clip(t.astype(jnp.int32), 0, _N - 2)
                frac = t - i.astype(jnp.float32)
                y0 = plsc.load_gather(table_v, [i])
                y1 = plsc.load_gather(table_v, [i + 1])
                ob[pl.ds(j * _L, _L)] = y0 + (y1 - y0) * frac

            pltpu.async_copy(obuf[b], out_hbm.at[pl.ds(off, _CHUNK)], osem[b])

        for ci in (n_chunks - 2, n_chunks - 1):
            b = ci & 1
            pltpu.make_async_copy(
                obuf[b], out_hbm.at[pl.ds(base + ci * _CHUNK, _CHUNK)], osem[b]
            ).wait()

    return interp


def kernel(array, xnew):
    xf = xnew.reshape(-1)
    out = _make_interp(xf.shape[0])(array, xf)
    return out.reshape(xnew.shape)

# --- scband reference (transcript-rebuilt; emitter-appended) ---
"""Pipeline reference for scband-convert-1d-to-interpolator-2147483648593 (READ-ONLY COPY).

The authoritative reference and input builder live on the scoring server;
editing this copy changes nothing except your own understanding.
"""

import jax, jax.numpy as jnp
import numpy as np

MIN_VAL = 0.0
MAX_VAL = 1.0
N_GRID = 65536


def setup_inputs(seed: int = 0) -> dict:
    key = jax.random.key(seed)
    k1, k2 = jax.random.split(key)
    array = jax.random.normal(k1, (N_GRID,), dtype=jnp.float32)
    xnew = jax.random.uniform(k2, (16384, 128), dtype=jnp.float32, minval=0.0, maxval=1.0)
    return {"array": array, "xnew": xnew}


def reference(array, xnew):
    # Faithful translation of convert_1d_to_interpolator.__getitem__ with interp1d:
    # x is a uniform linspace grid registered at init; queries are flattened,
    # located in the sorted grid via searchsorted (the 1-NN-style retrieval step),
    # then linearly interpolated between the two bracketing grid values.
    n = array.shape[0]
    x = jnp.linspace(MIN_VAL, MAX_VAL, n, dtype=jnp.float32)
    original_shape = xnew.shape
    xf = xnew.reshape(-1)
    # locate bracketing interval; clamp so edge queries extrapolate along edge segment
    ind = jnp.searchsorted(x, xf, side='right')
    ind = jnp.clip(ind - 1, 0, n - 2)
    x0 = jnp.take(x, ind)
    x1 = jnp.take(x, ind + 1)
    y0 = jnp.take(array, ind)
    y1 = jnp.take(array, ind + 1)
    slope = (y1 - y0) / (x1 - x0)
    out = y0 + slope * (xf - x0)
    return out.reshape(original_shape)

if __name__ == "__main__":
    import jax
    _d = setup_inputs()
    print(jax.jit(kernel)(*tuple(_d.values())))

</pallas_src>

<mosaic_0001>
#map = affine_map<(d0, d1) -> (0)>
module attributes {stable_mosaic.version = 14 : i64} {
  func.func @interp(%arg0: i32, %arg1: i32, %arg2: memref<65536xf32, #tpu.memory_space<hbm>>, %arg3: memref<2097152xf32, #tpu.memory_space<hbm>>, %arg4: memref<2097152xf32, #tpu.memory_space<hbm>>, %arg5: memref<65536xf32, #tpu.memory_space<vmem>>, %arg6: memref<8192xf32, #tpu.memory_space<vmem>>, %arg7: memref<8192xf32, #tpu.memory_space<vmem>>, %arg8: memref<8192xf32, #tpu.memory_space<vmem>>, %arg9: memref<8192xf32, #tpu.memory_space<vmem>>, %arg10: memref<!tpu.dma_semaphore, #tpu.memory_space<semaphore_mem>>, %arg11: memref<!tpu.dma_semaphore, #tpu.memory_space<semaphore_mem>>, %arg12: memref<!tpu.dma_semaphore, #tpu.memory_space<semaphore_mem>>, %arg13: memref<!tpu.dma_semaphore, #tpu.memory_space<semaphore_mem>>) attributes {dimension_semantics = [#tpu.dimension_semantics<core_parallel>, #tpu.dimension_semantics<subcore_parallel>], iteration_bounds = array<i64: 2, 16>, scalar_prefetch = 0 : i64, scratch_operands = 9 : i64, tpu.core_type = #tpu.core_type<sc_vector_subcore>, window_params = [{transform_indices = #map}, {transform_indices = #map}, {transform_indices = #map}]} {
    %mul3A = arith.constant 2 : i32
    %mul3A_0 = arith.muli %arg1, %mul3A : i32
    %add3A = arith.addi %mul3A_0, %arg0 : i32
    %mul3A_1 = arith.constant 65536 : i32
    %mul3A_2 = arith.muli %add3A, %mul3A_1 : i32
    %dma_start3A = tpu.memref_slice %arg3[%mul3A_2] : memref<2097152xf32, #tpu.memory_space<hbm>> -> memref<8192xf32, #tpu.memory_space<hbm>>
    %dma_start3A_3 = tpu.memref_slice %arg3[%mul3A_2] : memref<2097152xf32, #tpu.memory_space<hbm>> -> memref<8192xf32, #tpu.memory_space<hbm>>
    tpu.enqueue_dma source(%dma_start3A_3 : memref<8192xf32, #tpu.memory_space<hbm>>) target(%arg6 : memref<8192xf32, #tpu.memory_space<vmem>>) target_semaphore(%arg10 : memref<!tpu.dma_semaphore, #tpu.memory_space<semaphore_mem>>)
    "tpu.region"() ({
      %run_scoped3A = tpu.sem_alloc : memref<!tpu.dma_semaphore, #tpu.memory_space<semaphore_mem>>
      tpu.enqueue_dma source(%arg2 : memref<65536xf32, #tpu.memory_space<hbm>>) target(%arg5 : memref<65536xf32, #tpu.memory_space<vmem>>) target_semaphore(%run_scoped3A : memref<!tpu.dma_semaphore, #tpu.memory_space<semaphore_mem>>)
      tpu.wait_dma2 semaphore(%run_scoped3A : memref<!tpu.dma_semaphore, #tpu.memory_space<semaphore_mem>>) src(%arg2 : memref<65536xf32, #tpu.memory_space<hbm>>) dst(%arg5 : memref<65536xf32, #tpu.memory_space<vmem>>)
      tpu.yield
    }) : () -> ()
    %add3A_4 = arith.constant 0 : i32
    %add3A_5 = arith.addi %mul3A_2, %add3A_4 : i32
    %add3A_6 = arith.constant 8192 : i32
    %add3A_7 = arith.addi %add3A_5, %add3A_6 : i32
    %dma_start3A_8 = tpu.memref_slice %arg3[%add3A_7] : memref<2097152xf32, #tpu.memory_space<hbm>> -> memref<8192xf32, #tpu.memory_space<hbm>>
    %dma_start3A_9 = tpu.memref_slice %arg3[%add3A_7] : memref<2097152xf32, #tpu.memory_space<hbm>> -> memref<8192xf32, #tpu.memory_space<hbm>>
    tpu.enqueue_dma source(%dma_start3A_9 : memref<8192xf32, #tpu.memory_space<hbm>>) target(%arg7 : memref<8192xf32, #tpu.memory_space<vmem>>) target_semaphore(%arg11 : memref<!tpu.dma_semaphore, #tpu.memory_space<semaphore_mem>>)
    %dma_wait3A = tpu.memref_slice %arg3[%add3A_5] : memref<2097152xf32, #tpu.memory_space<hbm>> -> memref<8192xf32, #tpu.memory_space<hbm>>
    %dma_wait3A_10 = tpu.memref_slice %arg3[%add3A_5] : memref<2097152xf32, #tpu.memory_space<hbm>> -> memref<8192xf32, #tpu.memory_space<hbm>>
    tpu.wait_dma2 semaphore(%arg10 : memref<!tpu.dma_semaphore, #tpu.memory_space<semaphore_mem>>) src(%dma_wait3A_10 : memref<8192xf32, #tpu.memory_space<hbm>>) dst(%arg6 : memref<8192xf32, #tpu.memory_space<vmem>>)
    %parallel_loop3A = arith.constant 0 : i32
    %parallel_loop3A_11 = arith.constant 512 : i32
    %parallel_loop3A_12 = arith.constant 1 : i32
    scf.for %parallel_loop3A_133 = %parallel_loop3A to %parallel_loop3A_11 step %parallel_loop3A_12  : i32 {
      %parallel_loop3A_134 = arith.constant 16 : i32
      %parallel_loop3A_135 = arith.muli %parallel_loop3A_133, %parallel_loop3A_134 : i32
      %parallel_loop3A_136 = arith.index_cast %parallel_loop3A_135 : i32 to index
      %parallel_loop3A_137 = tpu.vector_load %arg6[%parallel_loop3A_136] {strides = array<i32>} : memref<8192xf32, #tpu.memory_space<vmem>>, vector<16xf32>,
      %parallel_loop3A_138 = arith.constant 6.553500e+04 : f32
      %parallel_loop3A_139 = vector.broadcast %parallel_loop3A_138 : f32 to vector<16xf32>
      %parallel_loop3A_140 = arith.mulf %parallel_loop3A_137, %parallel_loop3A_139 : vector<16xf32>
      %parallel_loop3A_141 = arith.fptosi %parallel_loop3A_140 : vector<16xf32> to vector<16xi32>
      %parallel_loop3A_142 = arith.constant 0 : i32
      %parallel_loop3A_143 = arith.constant 65534 : i32
      %parallel_loop3A_144 = vector.broadcast %parallel_loop3A_142 : i32 to vector<16xi32>
      %parallel_loop3A_145 = arith.maxsi %parallel_loop3A_144, %parallel_loop3A_141 : vector<16xi32>
      %parallel_loop3A_146 = vector.broadcast %parallel_loop3A_143 : i32 to vector<16xi32>
      %parallel_loop3A_147 = arith.minsi %parallel_loop3A_146, %parallel_loop3A_145 : vector<16xi32>
      %parallel_loop3A_148 = arith.sitofp %parallel_loop3A_147 : vector<16xi32> to vector<16xf32>
      %parallel_loop3A_149 = arith.subf %parallel_loop3A_140, %parallel_loop3A_148 : vector<16xf32>
      %parallel_loop3A_150 = tpu.vector_load_idx %arg5[%parallel_loop3A_147] : memref<65536xf32, #tpu.memory_space<vmem>>[vector<16xi32>], vector<16xf32>,
      %parallel_loop3A_151 = arith.constant 1 : i32
      %parallel_loop3A_152 = vector.broadcast %parallel_loop3A_151 : i32 to vector<16xi32>
      %parallel_loop3A_153 = arith.addi %parallel_loop3A_147, %parallel_loop3A_152 : vector<16xi32>
      %parallel_loop3A_154 = tpu.vector_load_idx %arg5[%parallel_loop3A_153] : memref<65536xf32, #tpu.memory_space<vmem>>[vector<16xi32>], vector<16xf32>,
      %parallel_loop3A_155 = arith.subf %parallel_loop3A_154, %parallel_loop3A_150 : vector<16xf32>
      %parallel_loop3A_156 = arith.mulf %parallel_loop3A_155, %parallel_loop3A_149 : vector<16xf32>
      %parallel_loop3A_157 = arith.addf %parallel_loop3A_150, %parallel_loop3A_156 : vector<16xf32>
      %parallel_loop3A_158 = arith.constant 16 : i32
      %parallel_loop3A_159 = arith.muli %parallel_loop3A_133, %parallel_loop3A_158 : i32
      %parallel_loop3A_160 = arith.index_cast %parallel_loop3A_159 : i32 to index
      %parallel_loop3A_161 = tpu.vector_load %arg8[%parallel_loop3A_160] {strides = array<i32>} : memref<8192xf32, #tpu.memory_space<vmem>>, vector<16xf32>,
      tpu.vector_store %arg8[%parallel_loop3A_160], %parallel_loop3A_157 {strides = array<i32>} : memref<8192xf32, #tpu.memory_space<vmem>>, vector<16xf32>,
    } {sc.loop_unroll_factor = 4 : i64, sc.parallel_access}
    %dma_start3A_13 = tpu.memref_slice %arg4[%add3A_5] : memref<2097152xf32, #tpu.memory_space<hbm>> -> memref<8192xf32, #tpu.memory_space<hbm>>
    %dma_start3A_14 = tpu.memref_slice %arg4[%add3A_5] : memref<2097152xf32, #tpu.memory_space<hbm>> -> memref<8192xf32, #tpu.memory_space<hbm>>
    tpu.enqueue_dma source(%arg8 : memref<8192xf32, #tpu.memory_space<vmem>>) target(%dma_start3A_14 : memref<8192xf32, #tpu.memory_space<hbm>>) target_semaphore(%arg12 : memref<!tpu.dma_semaphore, #tpu.memory_space<semaphore_mem>>)
    %add3A_15 = arith.constant 8192 : i32
    %add3A_16 = arith.addi %mul3A_2, %add3A_15 : i32
    %add3A_17 = arith.constant 8192 : i32
    %add3A_18 = arith.addi %add3A_16, %add3A_17 : i32
    %dma_start3A_19 = tpu.memref_slice %arg3[%add3A_18] : memref<2097152xf32, #tpu.memory_space<hbm>> -> memref<8192xf32, #tpu.memory_space<hbm>>
    %dma_start3A_20 = tpu.memref_slice %arg3[%add3A_18] : memref<2097152xf32, #tpu.memory_space<hbm>> -> memref<8192xf32, #tpu.memory_space<hbm>>
    tpu.enqueue_dma source(%dma_start3A_20 : memref<8192xf32, #tpu.memory_space<hbm>>) target(%arg6 : memref<8192xf32, #tpu.memory_space<vmem>>) target_semaphore(%arg10 : memref<!tpu.dma_semaphore, #tpu.memory_space<semaphore_mem>>)
    %dma_wait3A_21 = tpu.memref_slice %arg3[%add3A_16] : memref<2097152xf32, #tpu.memory_space<hbm>> -> memref<8192xf32, #tpu.memory_space<hbm>>
    %dma_wait3A_22 = tpu.memref_slice %arg3[%add3A_16] : memref<2097152xf32, #tpu.memory_space<hbm>> -> memref<8192xf32, #tpu.memory_space<hbm>>
    tpu.wait_dma2 semaphore(%arg11 : memref<!tpu.dma_semaphore, #tpu.memory_space<semaphore_mem>>) src(%dma_wait3A_22 : memref<8192xf32, #tpu.memory_space<hbm>>) dst(%arg7 : memref<8192xf32, #tpu.memory_space<vmem>>)
    %parallel_loop3A_23 = arith.constant 0 : i32
    %parallel_loop3A_24 = arith.constant 512 : i32
    %parallel_loop3A_25 = arith.constant 1 : i32
    scf.for %parallel_loop3A_133 = %parallel_loop3A_23 to %parallel_loop3A_24 step %parallel_loop3A_25  : i32 {
      %parallel_loop3A_134 = arith.constant 16 : i32
      %parallel_loop3A_135 = arith.muli %parallel_loop3A_133, %parallel_loop3A_134 : i32
      %parallel_loop3A_136 = arith.index_cast %parallel_loop3A_135 : i32 to index
      %parallel_loop3A_137 = tpu.vector_load %arg7[%parallel_loop3A_136] {strides = array<i32>} : memref<8192xf32, #tpu.memory_space<vmem>>, vector<16xf32>,
      %parallel_loop3A_138 = arith.constant 6.553500e+04 : f32
      %parallel_loop3A_139 = vector.broadcast %parallel_loop3A_138 : f32 to vector<16xf32>
      %parallel_loop3A_140 = arith.mulf %parallel_loop3A_137, %parallel_loop3A_139 : vector<16xf32>
      %parallel_loop3A_141 = arith.fptosi %parallel_loop3A_140 : vector<16xf32> to vector<16xi32>
      %parallel_loop3A_142 = arith.constant 0 : i32
      %parallel_loop3A_143 = arith.constant 65534 : i32
      %parallel_loop3A_144 = vector.broadcast %parallel_loop3A_142 : i32 to vector<16xi32>
      %parallel_loop3A_145 = arith.maxsi %parallel_loop3A_144, %parallel_loop3A_141 : vector<16xi32>
      %parallel_loop3A_146 = vector.broadcast %parallel_loop3A_143 : i32 to vector<16xi32>
      %parallel_loop3A_147 = arith.minsi %parallel_loop3A_146, %parallel_loop3A_145 : vector<16xi32>
      %parallel_loop3A_148 = arith.sitofp %parallel_loop3A_147 : vector<16xi32> to vector<16xf32>
      %parallel_loop3A_149 = arith.subf %parallel_loop3A_140, %parallel_loop3A_148 : vector<16xf32>
      %parallel_loop3A_150 = tpu.vector_load_idx %arg5[%parallel_loop3A_147] : memref<65536xf32, #tpu.memory_space<vmem>>[vector<16xi32>], vector<16xf32>,
      %parallel_loop3A_151 = arith.constant 1 : i32
      %parallel_loop3A_152 = vector.broadcast %parallel_loop3A_151 : i32 to vector<16xi32>
      %parallel_loop3A_153 = arith.addi %parallel_loop3A_147, %parallel_loop3A_152 : vector<16xi32>
      %parallel_loop3A_154 = tpu.vector_load_idx %arg5[%parallel_loop3A_153] : memref<65536xf32, #tpu.memory_space<vmem>>[vector<16xi32>], vector<16xf32>,
      %parallel_loop3A_155 = arith.subf %parallel_loop3A_154, %parallel_loop3A_150 : vector<16xf32>
      %parallel_loop3A_156 = arith.mulf %parallel_loop3A_155, %parallel_loop3A_149 : vector<16xf32>
      %parallel_loop3A_157 = arith.addf %parallel_loop3A_150, %parallel_loop3A_156 : vector<16xf32>
      %parallel_loop3A_158 = arith.constant 16 : i32
      %parallel_loop3A_159 = arith.muli %parallel_loop3A_133, %parallel_loop3A_158 : i32
      %parallel_loop3A_160 = arith.index_cast %parallel_loop3A_159 : i32 to index
      %parallel_loop3A_161 = tpu.vector_load %arg9[%parallel_loop3A_160] {strides = array<i32>} : memref<8192xf32, #tpu.memory_space<vmem>>, vector<16xf32>,
      tpu.vector_store %arg9[%parallel_loop3A_160], %parallel_loop3A_157 {strides = array<i32>} : memref<8192xf32, #tpu.memory_space<vmem>>, vector<16xf32>,
    } {sc.loop_unroll_factor = 4 : i64, sc.parallel_access}
    %dma_start3A_26 = tpu.memref_slice %arg4[%add3A_16] : memref<2097152xf32, #tpu.memory_space<hbm>> -> memref<8192xf32, #tpu.memory_space<hbm>>
    %dma_start3A_27 = tpu.memref_slice %arg4[%add3A_16] : memref<2097152xf32, #tpu.memory_space<hbm>> -> memref<8192xf32, #tpu.memory_space<hbm>>
    tpu.enqueue_dma source(%arg9 : memref<8192xf32, #tpu.memory_space<vmem>>) target(%dma_start3A_27 : memref<8192xf32, #tpu.memory_space<hbm>>) target_semaphore(%arg13 : memref<!tpu.dma_semaphore, #tpu.memory_space<semaphore_mem>>)
    %add3A_28 = arith.constant 16384 : i32
    %add3A_29 = arith.addi %mul3A_2, %add3A_28 : i32
    %add3A_30 = arith.constant 8192 : i32
    %add3A_31 = arith.addi %add3A_29, %add3A_30 : i32
    %dma_start3A_32 = tpu.memref_slice %arg3[%add3A_31] : memref<2097152xf32, #tpu.memory_space<hbm>> -> memref<8192xf32, #tpu.memory_space<hbm>>
    %dma_start3A_33 = tpu.memref_slice %arg3[%add3A_31] : memref<2097152xf32, #tpu.memory_space<hbm>> -> memref<8192xf32, #tpu.memory_space<hbm>>
    tpu.enqueue_dma source(%dma_start3A_33 : memref<8192xf32, #tpu.memory_space<hbm>>) target(%arg7 : memref<8192xf32, #tpu.memory_space<vmem>>) target_semaphore(%arg11 : memref<!tpu.dma_semaphore, #tpu.memory_space<semaphore_mem>>)
    %dma_wait3A_34 = tpu.memref_slice %arg3[%add3A_29] : memref<2097152xf32, #tpu.memory_space<hbm>> -> memref<8192xf32, #tpu.memory_space<hbm>>
    %dma_wait3A_35 = tpu.memref_slice %arg3[%add3A_29] : memref<2097152xf32, #tpu.memory_space<hbm>> -> memref<8192xf32, #tpu.memory_space<hbm>>
    tpu.wait_dma2 semaphore(%arg10 : memref<!tpu.dma_semaphore, #tpu.memory_space<semaphore_mem>>) src(%dma_wait3A_35 : memref<8192xf32, #tpu.memory_space<hbm>>) dst(%arg6 : memref<8192xf32, #tpu.memory_space<vmem>>)
    %sub3A = arith.constant 16384 : i32
    %sub3A_36 = arith.subi %add3A_29, %sub3A : i32
    %dma_wait3A_37 = tpu.memref_slice %arg4[%sub3A_36] : memref<2097152xf32, #tpu.memory_space<hbm>> -> memref<8192xf32, #tpu.memory_space<hbm>>
    %dma_wait3A_38 = tpu.memref_slice %arg4[%sub3A_36] : memref<2097152xf32, #tpu.memory_space<hbm>> -> memref<8192xf32, #tpu.memory_space<hbm>>
    tpu.wait_dma2 semaphore(%arg12 : memref<!tpu.dma_semaphore, #tpu.memory_space<semaphore_mem>>) src(%arg8 : memref<8192xf32, #tpu.memory_space<vmem>>) dst(%dma_wait3A_38 : memref<8192xf32, #tpu.memory_space<hbm>>)
    %parallel_loop3A_39 = arith.constant 0 : i32
    %parallel_loop3A_40 = arith.constant 512 : i32
    %parallel_loop3A_41 = arith.constant 1 : i32
    scf.for %parallel_loop3A_133 = %parallel_loop3A_39 to %parallel_loop3A_40 step %parallel_loop3A_41  : i32 {
      %parallel_loop3A_134 = arith.constant 16 : i32
      %parallel_loop3A_135 = arith.muli %parallel_loop3A_133, %parallel_loop3A_134 : i32
      %parallel_loop3A_136 = arith.index_cast %parallel_loop3A_135 : i32 to index
      %parallel_loop3A_137 = tpu.vector_load %arg6[%parallel_loop3A_136] {strides = array<i32>} : memref<8192xf32, #tpu.memory_space<vmem>>, vector<16xf32>,
      %parallel_loop3A_138 = arith.constant 6.553500e+04 : f32
      %parallel_loop3A_139 = vector.broadcast %parallel_loop3A_138 : f32 to vector<16xf32>
      %parallel_loop3A_140 = arith.mulf %parallel_loop3A_137, %parallel_loop3A_139 : vector<16xf32>
      %parallel_loop3A_141 = arith.fptosi %parallel_loop3A_140 : vector<16xf32> to vector<16xi32>
      %parallel_loop3A_142 = arith.constant 0 : i32
      %parallel_loop3A_143 = arith.constant 65534 : i32
      %parallel_loop3A_144 = vector.broadcast %parallel_loop3A_142 : i32 to vector<16xi32>
      %parallel_loop3A_145 = arith.maxsi %parallel_loop3A_144, %parallel_loop3A_141 : vector<16xi32>
      %parallel_loop3A_146 = vector.broadcast %parallel_loop3A_143 : i32 to vector<16xi32>
      %parallel_loop3A_147 = arith.minsi %parallel_loop3A_146, %parallel_loop3A_145 : vector<16xi32>
      %parallel_loop3A_148 = arith.sitofp %parallel_loop3A_147 : vector<16xi32> to vector<16xf32>
      %parallel_loop3A_149 = arith.subf %parallel_loop3A_140, %parallel_loop3A_148 : vector<16xf32>
      %parallel_loop3A_150 = tpu.vector_load_idx %arg5[%parallel_loop3A_147] : memref<65536xf32, #tpu.memory_space<vmem>>[vector<16xi32>], vector<16xf32>,
      %parallel_loop3A_151 = arith.constant 1 : i32
      %parallel_loop3A_152 = vector.broadcast %parallel_loop3A_151 : i32 to vector<16xi32>
      %parallel_loop3A_153 = arith.addi %parallel_loop3A_147, %parallel_loop3A_152 : vector<16xi32>
      %parallel_loop3A_154 = tpu.vector_load_idx %arg5[%parallel_loop3A_153] : memref<65536xf32, #tpu.memory_space<vmem>>[vector<16xi32>], vector<16xf32>,
      %parallel_loop3A_155 = arith.subf %parallel_loop3A_154, %parallel_loop3A_150 : vector<16xf32>
      %parallel_loop3A_156 = arith.mulf %parallel_loop3A_155, %parallel_loop3A_149 : vector<16xf32>
      %parallel_loop3A_157 = arith.addf %parallel_loop3A_150, %parallel_loop3A_156 : vector<16xf32>
      %parallel_loop3A_158 = arith.constant 16 : i32
      %parallel_loop3A_159 = arith.muli %parallel_loop3A_133, %parallel_loop3A_158 : i32
      %parallel_loop3A_160 = arith.index_cast %parallel_loop3A_159 : i32 to index
      %parallel_loop3A_161 = tpu.vector_load %arg8[%parallel_loop3A_160] {strides = array<i32>} : memref<8192xf32, #tpu.memory_space<vmem>>, vector<16xf32>,
      tpu.vector_store %arg8[%parallel_loop3A_160], %parallel_loop3A_157 {strides = array<i32>} : memref<8192xf32, #tpu.memory_space<vmem>>, vector<16xf32>,
    } {sc.loop_unroll_factor = 4 : i64, sc.parallel_access}
    %dma_start3A_42 = tpu.memref_slice %arg4[%add3A_29] : memref<2097152xf32, #tpu.memory_space<hbm>> -> memref<8192xf32, #tpu.memory_space<hbm>>
    %dma_start3A_43 = tpu.memref_slice %arg4[%add3A_29] : memref<2097152xf32, #tpu.memory_space<hbm>> -> memref<8192xf32, #tpu.memory_space<hbm>>
    tpu.enqueue_dma source(%arg8 : memref<8192xf32, #tpu.memory_space<vmem>>) target(%dma_start3A_43 : memref<8192xf32, #tpu.memory_space<hbm>>) target_semaphore(%arg12 : memref<!tpu.dma_semaphore, #tpu.memory_space<semaphore_mem>>)
    %add3A_44 = arith.constant 24576 : i32
    %add3A_45 = arith.addi %mul3A_2, %add3A_44 : i32
    %add3A_46 = arith.constant 8192 : i32
    %add3A_47 = arith.addi %add3A_45, %add3A_46 : i32
    %dma_start3A_48 = tpu.memref_slice %arg3[%add3A_47] : memref<2097152xf32, #tpu.memory_space<hbm>> -> memref<8192xf32, #tpu.memory_space<hbm>>
    %dma_start3A_49 = tpu.memref_slice %arg3[%add3A_47] : memref<2097152xf32, #tpu.memory_space<hbm>> -> memref<8192xf32, #tpu.memory_space<hbm>>
    tpu.enqueue_dma source(%dma_start3A_49 : memref<8192xf32, #tpu.memory_space<hbm>>) target(%arg6 : memref<8192xf32, #tpu.memory_space<vmem>>) target_semaphore(%arg10 : memref<!tpu.dma_semaphore, #tpu.memory_space<semaphore_mem>>)
    %dma_wait3A_50 = tpu.memref_slice %arg3[%add3A_45] : memref<2097152xf32, #tpu.memory_space<hbm>> -> memref<8192xf32, #tpu.memory_space<hbm>>
    %dma_wait3A_51 = tpu.memref_slice %arg3[%add3A_45] : memref<2097152xf32, #tpu.memory_space<hbm>> -> memref<8192xf32, #tpu.memory_space<hbm>>
    tpu.wait_dma2 semaphore(%arg11 : memref<!tpu.dma_semaphore, #tpu.memory_space<semaphore_mem>>) src(%dma_wait3A_51 : memref<8192xf32, #tpu.memory_space<hbm>>) dst(%arg7 : memref<8192xf32, #tpu.memory_space<vmem>>)
    %sub3A_52 = arith.constant 16384 : i32
    %sub3A_53 = arith.subi %add3A_45, %sub3A_52 : i32
    %dma_wait3A_54 = tpu.memref_slice %arg4[%sub3A_53] : memref<2097152xf32, #tpu.memory_space<hbm>> -> memref<8192xf32, #tpu.memory_space<hbm>>
    %dma_wait3A_55 = tpu.memref_slice %arg4[%sub3A_53] : memref<2097152xf32, #tpu.memory_space<hbm>> -> memref<8192xf32, #tpu.memory_space<hbm>>
    tpu.wait_dma2 semaphore(%arg13 : memref<!tpu.dma_semaphore, #tpu.memory_space<semaphore_mem>>) src(%arg9 : memref<8192xf32, #tpu.memory_space<vmem>>) dst(%dma_wait3A_55 : memref<8192xf32, #tpu.memory_space<hbm>>)
    %parallel_loop3A_56 = arith.constant 0 : i32
    %parallel_loop3A_57 = arith.constant 512 : i32
    %parallel_loop3A_58 = arith.constant 1 : i32
    scf.for %parallel_loop3A_133 = %parallel_loop3A_56 to %parallel_loop3A_57 step %parallel_loop3A_58  : i32 {
      %parallel_loop3A_134 = arith.constant 16 : i32
      %parallel_loop3A_135 = arith.muli %parallel_loop3A_133, %parallel_loop3A_134 : i32
      %parallel_loop3A_136 = arith.index_cast %parallel_loop3A_135 : i32 to index
      %parallel_loop3A_137 = tpu.vector_load %arg7[%parallel_loop3A_136] {strides = array<i32>} : memref<8192xf32, #tpu.memory_space<vmem>>, vector<16xf32>,
      %parallel_loop3A_138 = arith.constant 6.553500e+04 : f32
      %parallel_loop3A_139 = vector.broadcast %parallel_loop3A_138 : f32 to vector<16xf32>
      %parallel_loop3A_140 = arith.mulf %parallel_loop3A_137, %parallel_loop3A_139 : vector<16xf32>
      %parallel_loop3A_141 = arith.fptosi %parallel_loop3A_140 : vector<16xf32> to vector<16xi32>
      %parallel_loop3A_142 = arith.constant 0 : i32
      %parallel_loop3A_143 = arith.constant 65534 : i32
      %parallel_loop3A_144 = vector.broadcast %parallel_loop3A_142 : i32 to vector<16xi32>
      %parallel_loop3A_145 = arith.maxsi %parallel_loop3A_144, %parallel_loop3A_141 : vector<16xi32>
      %parallel_loop3A_146 = vector.broadcast %parallel_loop3A_143 : i32 to vector<16xi32>
      %parallel_loop3A_147 = arith.minsi %parallel_loop3A_146, %parallel_loop3A_145 : vector<16xi32>
      %parallel_loop3A_148 = arith.sitofp %parallel_loop3A_147 : vector<16xi32> to vector<16xf32>
      %parallel_loop3A_149 = arith.subf %parallel_loop3A_140, %parallel_loop3A_148 : vector<16xf32>
      %parallel_loop3A_150 = tpu.vector_load_idx %arg5[%parallel_loop3A_147] : memref<65536xf32, #tpu.memory_space<vmem>>[vector<16xi32>], vector<16xf32>,
      %parallel_loop3A_151 = arith.constant 1 : i32
      %parallel_loop3A_152 = vector.broadcast %parallel_loop3A_151 : i32 to vector<16xi32>
      %parallel_loop3A_153 = arith.addi %parallel_loop3A_147, %parallel_loop3A_152 : vector<16xi32>
      %parallel_loop3A_154 = tpu.vector_load_idx %arg5[%parallel_loop3A_153] : memref<65536xf32, #tpu.memory_space<vmem>>[vector<16xi32>], vector<16xf32>,
      %parallel_loop3A_155 = arith.subf %parallel_loop3A_154, %parallel_loop3A_150 : vector<16xf32>
      %parallel_loop3A_156 = arith.mulf %parallel_loop3A_155, %parallel_loop3A_149 : vector<16xf32>
      %parallel_loop3A_157 = arith.addf %parallel_loop3A_150, %parallel_loop3A_156 : vector<16xf32>
      %parallel_loop3A_158 = arith.constant 16 : i32
      %parallel_loop3A_159 = arith.muli %parallel_loop3A_133, %parallel_loop3A_158 : i32
      %parallel_loop3A_160 = arith.index_cast %parallel_loop3A_159 : i32 to index
      %parallel_loop3A_161 = tpu.vector_load %arg9[%parallel_loop3A_160] {strides = array<i32>} : memref<8192xf32, #tpu.memory_space<vmem>>, vector<16xf32>,
      tpu.vector_store %arg9[%parallel_loop3A_160], %parallel_loop3A_157 {strides = array<i32>} : memref<8192xf32, #tpu.memory_space<vmem>>, vector<16xf32>,
    } {sc.loop_unroll_factor = 4 : i64, sc.parallel_access}
    %dma_start3A_59 = tpu.memref_slice %arg4[%add3A_45] : memref<2097152xf32, #tpu.memory_space<hbm>> -> memref<8192xf32, #tpu.memory_space<hbm>>
    %dma_start3A_60 = tpu.memref_slice %arg4[%add3A_45] : memref<2097152xf32, #tpu.memory_space<hbm>> -> memref<8192xf32, #tpu.memory_space<hbm>>
    tpu.enqueue_dma source(%arg9 : memref<8192xf32, #tpu.memory_space<vmem>>) target(%dma_start3A_60 : memref<8192xf32, #tpu.memory_space<hbm>>) target_semaphore(%arg13 : memref<!tpu.dma_semaphore, #tpu.memory_space<semaphore_mem>>)
    %add3A_61 = arith.constant 32768 : i32
    %add3A_62 = arith.addi %mul3A_2, %add3A_61 : i32
    %add3A_63 = arith.constant 8192 : i32
    %add3A_64 = arith.addi %add3A_62, %add3A_63 : i32
    %dma_start3A_65 = tpu.memref_slice %arg3[%add3A_64] : memref<2097152xf32, #tpu.memory_space<hbm>> -> memref<8192xf32, #tpu.memory_space<hbm>>
    %dma_start3A_66 = tpu.memref_slice %arg3[%add3A_64] : memref<2097152xf32, #tpu.memory_space<hbm>> -> memref<8192xf32, #tpu.memory_space<hbm>>
    tpu.enqueue_dma source(%dma_start3A_66 : memref<8192xf32, #tpu.memory_space<hbm>>) target(%arg7 : memref<8192xf32, #tpu.memory_space<vmem>>) target_semaphore(%arg11 : memref<!tpu.dma_semaphore, #tpu.memory_space<semaphore_mem>>)
    %dma_wait3A_67 = tpu.memref_slice %arg3[%add3A_62] : memref<2097152xf32, #tpu.memory_space<hbm>> -> memref<8192xf32, #tpu.memory_space<hbm>>
    %dma_wait3A_68 = tpu.memref_slice %arg3[%add3A_62] : memref<2097152xf32, #tpu.memory_space<hbm>> -> memref<8192xf32, #tpu.memory_space<hbm>>
    tpu.wait_dma2 semaphore(%arg10 : memref<!tpu.dma_semaphore, #tpu.memory_space<semaphore_mem>>) src(%dma_wait3A_68 : memref<8192xf32, #tpu.memory_space<hbm>>) dst(%arg6 : memref<8192xf32, #tpu.memory_space<vmem>>)
    %sub3A_69 = arith.constant 16384 : i32
    %sub3A_70 = arith.subi %add3A_62, %sub3A_69 : i32
    %dma_wait3A_71 = tpu.memref_slice %arg4[%sub3A_70] : memref<2097152xf32, #tpu.memory_space<hbm>> -> memref<8192xf32, #tpu.memory_space<hbm>>
    %dma_wait3A_72 = tpu.memref_slice %arg4[%sub3A_70] : memref<2097152xf32, #tpu.memory_space<hbm>> -> memref<8192xf32, #tpu.memory_space<hbm>>
    tpu.wait_dma2 semaphore(%arg12 : memref<!tpu.dma_semaphore, #tpu.memory_space<semaphore_mem>>) src(%arg8 : memref<8192xf32, #tpu.memory_space<vmem>>) dst(%dma_wait3A_72 : memref<8192xf32, #tpu.memory_space<hbm>>)
    %parallel_loop3A_73 = arith.constant 0 : i32
    %parallel_loop3A_74 = arith.constant 512 : i32
    %parallel_loop3A_75 = arith.constant 1 : i32
    scf.for %parallel_loop3A_133 = %parallel_loop3A_73 to %parallel_loop3A_74 step %parallel_loop3A_75  : i32 {
      %parallel_loop3A_134 = arith.constant 16 : i32
      %parallel_loop3A_135 = arith.muli %parallel_loop3A_133, %parallel_loop3A_134 : i32
      %parallel_loop3A_136 = arith.index_cast %parallel_loop3A_135 : i32 to index
      %parallel_loop3A_137 = tpu.vector_load %arg6[%parallel_loop3A_136] {strides = array<i32>} : memref<8192xf32, #tpu.memory_space<vmem>>, vector<16xf32>,
      %parallel_loop3A_138 = arith.constant 6.553500e+04 : f32
      %parallel_loop3A_139 = vector.broadcast %parallel_loop3A_138 : f32 to vector<16xf32>
      %parallel_loop3A_140 = arith.mulf %parallel_loop3A_137, %parallel_loop3A_139 : vector<16xf32>
      %parallel_loop3A_141 = arith.fptosi %parallel_loop3A_140 : vector<16xf32> to vector<16xi32>
      %parallel_loop3A_142 = arith.constant 0 : i32
      %parallel_loop3A_143 = arith.constant 65534 : i32
      %parallel_loop3A_144 = vector.broadcast %parallel_loop3A_142 : i32 to vector<16xi32>
      %parallel_loop3A_145 = arith.maxsi %parallel_loop3A_144, %parallel_loop3A_141 : vector<16xi32>
      %parallel_loop3A_146 = vector.broadcast %parallel_loop3A_143 : i32 to vector<16xi32>
      %parallel_loop3A_147 = arith.minsi %parallel_loop3A_146, %parallel_loop3A_145 : vector<16xi32>
      %parallel_loop3A_148 = arith.sitofp %parallel_loop3A_147 : vector<16xi32> to vector<16xf32>
      %parallel_loop3A_149 = arith.subf %parallel_loop3A_140, %parallel_loop3A_148 : vector<16xf32>
      %parallel_loop3A_150 = tpu.vector_load_idx %arg5[%parallel_loop3A_147] : memref<65536xf32, #tpu.memory_space<vmem>>[vector<16xi32>], vector<16xf32>,
      %parallel_loop3A_151 = arith.constant 1 : i32
      %parallel_loop3A_152 = vector.broadcast %parallel_loop3A_151 : i32 to vector<16xi32>
      %parallel_loop3A_153 = arith.addi %parallel_loop3A_147, %parallel_loop3A_152 : vector<16xi32>
      %parallel_loop3A_154 = tpu.vector_load_idx %arg5[%parallel_loop3A_153] : memref<65536xf32, #tpu.memory_space<vmem>>[vector<16xi32>], vector<16xf32>,
      %parallel_loop3A_155 = arith.subf %parallel_loop3A_154, %parallel_loop3A_150 : vector<16xf32>
      %parallel_loop3A_156 = arith.mulf %parallel_loop3A_155, %parallel_loop3A_149 : vector<16xf32>
      %parallel_loop3A_157 = arith.addf %parallel_loop3A_150, %parallel_loop3A_156 : vector<16xf32>
      %parallel_loop3A_158 = arith.constant 16 : i32
      %parallel_loop3A_159 = arith.muli %parallel_loop3A_133, %parallel_loop3A_158 : i32
      %parallel_loop3A_160 = arith.index_cast %parallel_loop3A_159 : i32 to index
      %parallel_loop3A_161 = tpu.vector_load %arg8[%parallel_loop3A_160] {strides = array<i32>} : memref<8192xf32, #tpu.memory_space<vmem>>, vector<16xf32>,
      tpu.vector_store %arg8[%parallel_loop3A_160], %parallel_loop3A_157 {strides = array<i32>} : memref<8192xf32, #tpu.memory_space<vmem>>, vector<16xf32>,
    } {sc.loop_unroll_factor = 4 : i64, sc.parallel_access}
    %dma_start3A_76 = tpu.memref_slice %arg4[%add3A_62] : memref<2097152xf32, #tpu.memory_space<hbm>> -> memref<8192xf32, #tpu.memory_space<hbm>>
    %dma_start3A_77 = tpu.memref_slice %arg4[%add3A_62] : memref<2097152xf32, #tpu.memory_space<hbm>> -> memref<8192xf32, #tpu.memory_space<hbm>>
    tpu.enqueue_dma source(%arg8 : memref<8192xf32, #tpu.memory_space<vmem>>) target(%dma_start3A_77 : memref<8192xf32, #tpu.memory_space<hbm>>) target_semaphore(%arg12 : memref<!tpu.dma_semaphore, #tpu.memory_space<semaphore_mem>>)
    %add3A_78 = arith.constant 40960 : i32
    %add3A_79 = arith.addi %mul3A_2, %add3A_78 : i32
    %add3A_80 = arith.constant 8192 : i32
    %add3A_81 = arith.addi %add3A_79, %add3A_80 : i32
    %dma_start3A_82 = tpu.memref_slice %arg3[%add3A_81] : memref<2097152xf32, #tpu.memory_space<hbm>> -> memref<8192xf32, #tpu.memory_space<hbm>>
    %dma_start3A_83 = tpu.memref_slice %arg3[%add3A_81] : memref<2097152xf32, #tpu.memory_space<hbm>> -> memref<8192xf32, #tpu.memory_space<hbm>>
    tpu.enqueue_dma source(%dma_start3A_83 : memref<8192xf32, #tpu.memory_space<hbm>>) target(%arg6 : memref<8192xf32, #tpu.memory_space<vmem>>) target_semaphore(%arg10 : memref<!tpu.dma_semaphore, #tpu.memory_space<semaphore_mem>>)
    %dma_wait3A_84 = tpu.memref_slice %arg3[%add3A_79] : memref<2097152xf32, #tpu.memory_space<hbm>> -> memref<8192xf32, #tpu.memory_space<hbm>>
    %dma_wait3A_85 = tpu.memref_slice %arg3[%add3A_79] : memref<2097152xf32, #tpu.memory_space<hbm>> -> memref<8192xf32, #tpu.memory_space<hbm>>
    tpu.wait_dma2 semaphore(%arg11 : memref<!tpu.dma_semaphore, #tpu.memory_space<semaphore_mem>>) src(%dma_wait3A_85 : memref<8192xf32, #tpu.memory_space<hbm>>) dst(%arg7 : memref<8192xf32, #tpu.memory_space<vmem>>)
    %sub3A_86 = arith.constant 16384 : i32
    %sub3A_87 = arith.subi %add3A_79, %sub3A_86 : i32
    %dma_wait3A_88 = tpu.memref_slice %arg4[%sub3A_87] : memref<2097152xf32, #tpu.memory_space<hbm>> -> memref<8192xf32, #tpu.memory_space<hbm>>
    %dma_wait3A_89 = tpu.memref_slice %arg4[%sub3A_87] : memref<2097152xf32, #tpu.memory_space<hbm>> -> memref<8192xf32, #tpu.memory_space<hbm>>
    tpu.wait_dma2 semaphore(%arg13 : memref<!tpu.dma_semaphore, #tpu.memory_space<semaphore_mem>>) src(%arg9 : memref<8192xf32, #tpu.memory_space<vmem>>) dst(%dma_wait3A_89 : memref<8192xf32, #tpu.memory_space<hbm>>)
    %parallel_loop3A_90 = arith.constant 0 : i32
    %parallel_loop3A_91 = arith.constant 512 : i32
    %parallel_loop3A_92 = arith.constant 1 : i32
    scf.for %parallel_loop3A_133 = %parallel_loop3A_90 to %parallel_loop3A_91 step %parallel_loop3A_92  : i32 {
      %parallel_loop3A_134 = arith.constant 16 : i32
      %parallel_loop3A_135 = arith.muli %parallel_loop3A_133, %parallel_loop3A_134 : i32
      %parallel_loop3A_136 = arith.index_cast %parallel_loop3A_135 : i32 to index
      %parallel_loop3A_137 = tpu.vector_load %arg7[%parallel_loop3A_136] {strides = array<i32>} : memref<8192xf32, #tpu.memory_space<vmem>>, vector<16xf32>,
      %parallel_loop3A_138 = arith.constant 6.553500e+04 : f32
      %parallel_loop3A_139 = vector.broadcast %parallel_loop3A_138 : f32 to vector<16xf32>
      %parallel_loop3A_140 = arith.mulf %parallel_loop3A_137, %parallel_loop3A_139 : vector<16xf32>
      %parallel_loop3A_141 = arith.fptosi %parallel_loop3A_140 : vector<16xf32> to vector<16xi32>
      %parallel_loop3A_142 = arith.constant 0 : i32
      %parallel_loop3A_143 = arith.constant 65534 : i32
      %parallel_loop3A_144 = vector.broadcast %parallel_loop3A_142 : i32 to vector<16xi32>
      %parallel_loop3A_145 = arith.maxsi %parallel_loop3A_144, %parallel_loop3A_141 : vector<16xi32>
      %parallel_loop3A_146 = vector.broadcast %parallel_loop3A_143 : i32 to vector<16xi32>
      %parallel_loop3A_147 = arith.minsi %parallel_loop3A_146, %parallel_loop3A_145 : vector<16xi32>
      %parallel_loop3A_148 = arith.sitofp %parallel_loop3A_147 : vector<16xi32> to vector<16xf32>
      %parallel_loop3A_149 = arith.subf %parallel_loop3A_140, %parallel_loop3A_148 : vector<16xf32>
      %parallel_loop3A_150 = tpu.vector_load_idx %arg5[%parallel_loop3A_147] : memref<65536xf32, #tpu.memory_space<vmem>>[vector<16xi32>], vector<16xf32>,
      %parallel_loop3A_151 = arith.constant 1 : i32
      %parallel_loop3A_152 = vector.broadcast %parallel_loop3A_151 : i32 to vector<16xi32>
      %parallel_loop3A_153 = arith.addi %parallel_loop3A_147, %parallel_loop3A_152 : vector<16xi32>
      %parallel_loop3A_154 = tpu.vector_load_idx %arg5[%parallel_loop3A_153] : memref<65536xf32, #tpu.memory_space<vmem>>[vector<16xi32>], vector<16xf32>,
      %parallel_loop3A_155 = arith.subf %parallel_loop3A_154, %parallel_loop3A_150 : vector<16xf32>
      %parallel_loop3A_156 = arith.mulf %parallel_loop3A_155, %parallel_loop3A_149 : vector<16xf32>
      %parallel_loop3A_157 = arith.addf %parallel_loop3A_150, %parallel_loop3A_156 : vector<16xf32>
      %parallel_loop3A_158 = arith.constant 16 : i32
      %parallel_loop3A_159 = arith.muli %parallel_loop3A_133, %parallel_loop3A_158 : i32
      %parallel_loop3A_160 = arith.index_cast %parallel_loop3A_159 : i32 to index
      %parallel_loop3A_161 = tpu.vector_load %arg9[%parallel_loop3A_160] {strides = array<i32>} : memref<8192xf32, #tpu.memory_space<vmem>>, vector<16xf32>,
      tpu.vector_store %arg9[%parallel_loop3A_160], %parallel_loop3A_157 {strides = array<i32>} : memref<8192xf32, #tpu.memory_space<vmem>>, vector<16xf32>,
    } {sc.loop_unroll_factor = 4 : i64, sc.parallel_access}
    %dma_start3A_93 = tpu.memref_slice %arg4[%add3A_79] : memref<2097152xf32, #tpu.memory_space<hbm>> -> memref<8192xf32, #tpu.memory_space<hbm>>
    %dma_start3A_94 = tpu.memref_slice %arg4[%add3A_79] : memref<2097152xf32, #tpu.memory_space<hbm>> -> memref<8192xf32, #tpu.memory_space<hbm>>
    tpu.enqueue_dma source(%arg9 : memref<8192xf32, #tpu.memory_space<vmem>>) target(%dma_start3A_94 : memref<8192xf32, #tpu.memory_space<hbm>>) target_semaphore(%arg13 : memref<!tpu.dma_semaphore, #tpu.memory_space<semaphore_mem>>)
    %add3A_95 = arith.constant 49152 : i32
    %add3A_96 = arith.addi %mul3A_2, %add3A_95 : i32
    %add3A_97 = arith.constant 8192 : i32
    %add3A_98 = arith.addi %add3A_96, %add3A_97 : i32
    %dma_start3A_99 = tpu.memref_slice %arg3[%add3A_98] : memref<2097152xf32, #tpu.memory_space<hbm>> -> memref<8192xf32, #tpu.memory_space<hbm>>
    %dma_start3A_100 = tpu.memref_slice %arg3[%add3A_98] : memref<2097152xf32, #tpu.memory_space<hbm>> -> memref<8192xf32, #tpu.memory_space<hbm>>
    tpu.enqueue_dma source(%dma_start3A_100 : memref<8192xf32, #tpu.memory_space<hbm>>) target(%arg7 : memref<8192xf32, #tpu.memory_space<vmem>>) target_semaphore(%arg11 : memref<!tpu.dma_semaphore, #tpu.memory_space<semaphore_mem>>)
    %dma_wait3A_101 = tpu.memref_slice %arg3[%add3A_96] : memref<2097152xf32, #tpu.memory_space<hbm>> -> memref<8192xf32, #tpu.memory_space<hbm>>
    %dma_wait3A_102 = tpu.memref_slice %arg3[%add3A_96] : memref<2097152xf32, #tpu.memory_space<hbm>> -> memref<8192xf32, #tpu.memory_space<hbm>>
    tpu.wait_dma2 semaphore(%arg10 : memref<!tpu.dma_semaphore, #tpu.memory_space<semaphore_mem>>) src(%dma_wait3A_102 : memref<8192xf32, #tpu.memory_space<hbm>>) dst(%arg6 : memref<8192xf32, #tpu.memory_space<vmem>>)
    %sub3A_103 = arith.constant 16384 : i32
    %sub3A_104 = arith.subi %add3A_96, %sub3A_103 : i32
    %dma_wait3A_105 = tpu.memref_slice %arg4[%sub3A_104] : memref<2097152xf32, #tpu.memory_space<hbm>> -> memref<8192xf32, #tpu.memory_space<hbm>>
    %dma_wait3A_106 = tpu.memref_slice %arg4[%sub3A_104] : memref<2097152xf32, #tpu.memory_space<hbm>> -> memref<8192xf32, #tpu.memory_space<hbm>>
    tpu.wait_dma2 semaphore(%arg12 : memref<!tpu.dma_semaphore, #tpu.memory_space<semaphore_mem>>) src(%arg8 : memref<8192xf32, #tpu.memory_space<vmem>>) dst(%dma_wait3A_106 : memref<8192xf32, #tpu.memory_space<hbm>>)
    %parallel_loop3A_107 = arith.constant 0 : i32
    %parallel_loop3A_108 = arith.constant 512 : i32
    %parallel_loop3A_109 = arith.constant 1 : i32
    scf.for %parallel_loop3A_133 = %parallel_loop3A_107 to %parallel_loop3A_108 step %parallel_loop3A_109  : i32 {
      %parallel_loop3A_134 = arith.constant 16 : i32
      %parallel_loop3A_135 = arith.muli %parallel_loop3A_133, %parallel_loop3A_134 : i32
      %parallel_loop3A_136 = arith.index_cast %parallel_loop3A_135 : i32 to index
      %parallel_loop3A_137 = tpu.vector_load %arg6[%parallel_loop3A_136] {strides = array<i32>} : memref<8192xf32, #tpu.memory_space<vmem>>, vector<16xf32>,
      %parallel_loop3A_138 = arith.constant 6.553500e+04 : f32
      %parallel_loop3A_139 = vector.broadcast %parallel_loop3A_138 : f32 to vector<16xf32>
      %parallel_loop3A_140 = arith.mulf %parallel_loop3A_137, %parallel_loop3A_139 : vector<16xf32>
      %parallel_loop3A_141 = arith.fptosi %parallel_loop3A_140 : vector<16xf32> to vector<16xi32>
      %parallel_loop3A_142 = arith.constant 0 : i32
      %parallel_loop3A_143 = arith.constant 65534 : i32
      %parallel_loop3A_144 = vector.broadcast %parallel_loop3A_142 : i32 to vector<16xi32>
      %parallel_loop3A_145 = arith.maxsi %parallel_loop3A_144, %parallel_loop3A_141 : vector<16xi32>
      %parallel_loop3A_146 = vector.broadcast %parallel_loop3A_143 : i32 to vector<16xi32>
      %parallel_loop3A_147 = arith.minsi %parallel_loop3A_146, %parallel_loop3A_145 : vector<16xi32>
      %parallel_loop3A_148 = arith.sitofp %parallel_loop3A_147 : vector<16xi32> to vector<16xf32>
      %parallel_loop3A_149 = arith.subf %parallel_loop3A_140, %parallel_loop3A_148 : vector<16xf32>
      %parallel_loop3A_150 = tpu.vector_load_idx %arg5[%parallel_loop3A_147] : memref<65536xf32, #tpu.memory_space<vmem>>[vector<16xi32>], vector<16xf32>,
      %parallel_loop3A_151 = arith.constant 1 : i32
      %parallel_loop3A_152 = vector.broadcast %parallel_loop3A_151 : i32 to vector<16xi32>
      %parallel_loop3A_153 = arith.addi %parallel_loop3A_147, %parallel_loop3A_152 : vector<16xi32>
      %parallel_loop3A_154 = tpu.vector_load_idx %arg5[%parallel_loop3A_153] : memref<65536xf32, #tpu.memory_space<vmem>>[vector<16xi32>], vector<16xf32>,
      %parallel_loop3A_155 = arith.subf %parallel_loop3A_154, %parallel_loop3A_150 : vector<16xf32>
      %parallel_loop3A_156 = arith.mulf %parallel_loop3A_155, %parallel_loop3A_149 : vector<16xf32>
      %parallel_loop3A_157 = arith.addf %parallel_loop3A_150, %parallel_loop3A_156 : vector<16xf32>
      %parallel_loop3A_158 = arith.constant 16 : i32
      %parallel_loop3A_159 = arith.muli %parallel_loop3A_133, %parallel_loop3A_158 : i32
      %parallel_loop3A_160 = arith.index_cast %parallel_loop3A_159 : i32 to index
      %parallel_loop3A_161 = tpu.vector_load %arg8[%parallel_loop3A_160] {strides = array<i32>} : memref<8192xf32, #tpu.memory_space<vmem>>, vector<16xf32>,
      tpu.vector_store %arg8[%parallel_loop3A_160], %parallel_loop3A_157 {strides = array<i32>} : memref<8192xf32, #tpu.memory_space<vmem>>, vector<16xf32>,
    } {sc.loop_unroll_factor = 4 : i64, sc.parallel_access}
    %dma_start3A_110 = tpu.memref_slice %arg4[%add3A_96] : memref<2097152xf32, #tpu.memory_space<hbm>> -> memref<8192xf32, #tpu.memory_space<hbm>>
    %dma_start3A_111 = tpu.memref_slice %arg4[%add3A_96] : memref<2097152xf32, #tpu.memory_space<hbm>> -> memref<8192xf32, #tpu.memory_space<hbm>>
    tpu.enqueue_dma source(%arg8 : memref<8192xf32, #tpu.memory_space<vmem>>) target(%dma_start3A_111 : memref<8192xf32, #tpu.memory_space<hbm>>) target_semaphore(%arg12 : memref<!tpu.dma_semaphore, #tpu.memory_space<semaphore_mem>>)
    %add3A_112 = arith.constant 57344 : i32
    %add3A_113 = arith.addi %mul3A_2, %add3A_112 : i32
    %dma_wait3A_114 = tpu.memref_slice %arg3[%add3A_113] : memref<2097152xf32, #tpu.memory_space<hbm>> -> memref<8192xf32, #tpu.memory_space<hbm>>
    %dma_wait3A_115 = tpu.memref_slice %arg3[%add3A_113] : memref<2097152xf32, #tpu.memory_space<hbm>> -> memref<8192xf32, #tpu.memory_space<hbm>>
    tpu.wait_dma2 semaphore(%arg11 : memref<!tpu.dma_semaphore, #tpu.memory_space<semaphore_mem>>) src(%dma_wait3A_115 : memref<8192xf32, #tpu.memory_space<hbm>>) dst(%arg7 : memref<8192xf32, #tpu.memory_space<vmem>>)
    %sub3A_116 = arith.constant 16384 : i32
    %sub3A_117 = arith.subi %add3A_113, %sub3A_116 : i32
    %dma_wait3A_118 = tpu.memref_slice %arg4[%sub3A_117] : memref<2097152xf32, #tpu.memory_space<hbm>> -> memref<8192xf32, #tpu.memory_space<hbm>>
    %dma_wait3A_119 = tpu.memref_slice %arg4[%sub3A_117] : memref<2097152xf32, #tpu.memory_space<hbm>> -> memref<8192xf32, #tpu.memory_space<hbm>>
    tpu.wait_dma2 semaphore(%arg13 : memref<!tpu.dma_semaphore, #tpu.memory_space<semaphore_mem>>) src(%arg9 : memref<8192xf32, #tpu.memory_space<vmem>>) dst(%dma_wait3A_119 : memref<8192xf32, #tpu.memory_space<hbm>>)
    %parallel_loop3A_120 = arith.constant 0 : i32
    %parallel_loop3A_121 = arith.constant 512 : i32
    %parallel_loop3A_122 = arith.constant 1 : i32
    scf.for %parallel_loop3A_133 = %parallel_loop3A_120 to %parallel_loop3A_121 step %parallel_loop3A_122  : i32 {
      %parallel_loop3A_134 = arith.constant 16 : i32
      %parallel_loop3A_135 = arith.muli %parallel_loop3A_133, %parallel_loop3A_134 : i32
      %parallel_loop3A_136 = arith.index_cast %parallel_loop3A_135 : i32 to index
      %parallel_loop3A_137 = tpu.vector_load %arg7[%parallel_loop3A_136] {strides = array<i32>} : memref<8192xf32, #tpu.memory_space<vmem>>, vector<16xf32>,
      %parallel_loop3A_138 = arith.constant 6.553500e+04 : f32
      %parallel_loop3A_139 = vector.broadcast %parallel_loop3A_138 : f32 to vector<16xf32>
      %parallel_loop3A_140 = arith.mulf %parallel_loop3A_137, %parallel_loop3A_139 : vector<16xf32>
      %parallel_loop3A_141 = arith.fptosi %parallel_loop3A_140 : vector<16xf32> to vector<16xi32>
      %parallel_loop3A_142 = arith.constant 0 : i32
      %parallel_loop3A_143 = arith.constant 65534 : i32
      %parallel_loop3A_144 = vector.broadcast %parallel_loop3A_142 : i32 to vector<16xi32>
      %parallel_loop3A_145 = arith.maxsi %parallel_loop3A_144, %parallel_loop3A_141 : vector<16xi32>
      %parallel_loop3A_146 = vector.broadcast %parallel_loop3A_143 : i32 to vector<16xi32>
      %parallel_loop3A_147 = arith.minsi %parallel_loop3A_146, %parallel_loop3A_145 : vector<16xi32>
      %parallel_loop3A_148 = arith.sitofp %parallel_loop3A_147 : vector<16xi32> to vector<16xf32>
      %parallel_loop3A_149 = arith.subf %parallel_loop3A_140, %parallel_loop3A_148 : vector<16xf32>
      %parallel_loop3A_150 = tpu.vector_load_idx %arg5[%parallel_loop3A_147] : memref<65536xf32, #tpu.memory_space<vmem>>[vector<16xi32>], vector<16xf32>,
      %parallel_loop3A_151 = arith.constant 1 : i32
      %parallel_loop3A_152 = vector.broadcast %parallel_loop3A_151 : i32 to vector<16xi32>
      %parallel_loop3A_153 = arith.addi %parallel_loop3A_147, %parallel_loop3A_152 : vector<16xi32>
      %parallel_loop3A_154 = tpu.vector_load_idx %arg5[%parallel_loop3A_153] : memref<65536xf32, #tpu.memory_space<vmem>>[vector<16xi32>], vector<16xf32>,
      %parallel_loop3A_155 = arith.subf %parallel_loop3A_154, %parallel_loop3A_150 : vector<16xf32>
      %parallel_loop3A_156 = arith.mulf %parallel_loop3A_155, %parallel_loop3A_149 : vector<16xf32>
      %parallel_loop3A_157 = arith.addf %parallel_loop3A_150, %parallel_loop3A_156 : vector<16xf32>
      %parallel_loop3A_158 = arith.constant 16 : i32
      %parallel_loop3A_159 = arith.muli %parallel_loop3A_133, %parallel_loop3A_158 : i32
      %parallel_loop3A_160 = arith.index_cast %parallel_loop3A_159 : i32 to index
      %parallel_loop3A_161 = tpu.vector_load %arg9[%parallel_loop3A_160] {strides = array<i32>} : memref<8192xf32, #tpu.memory_space<vmem>>, vector<16xf32>,
      tpu.vector_store %arg9[%parallel_loop3A_160], %parallel_loop3A_157 {strides = array<i32>} : memref<8192xf32, #tpu.memory_space<vmem>>, vector<16xf32>,
    } {sc.loop_unroll_factor = 4 : i64, sc.parallel_access}
    %dma_start3A_123 = tpu.memref_slice %arg4[%add3A_113] : memref<2097152xf32, #tpu.memory_space<hbm>> -> memref<8192xf32, #tpu.memory_space<hbm>>
    %dma_start3A_124 = tpu.memref_slice %arg4[%add3A_113] : memref<2097152xf32, #tpu.memory_space<hbm>> -> memref<8192xf32, #tpu.memory_space<hbm>>
    tpu.enqueue_dma source(%arg9 : memref<8192xf32, #tpu.memory_space<vmem>>) target(%dma_start3A_124 : memref<8192xf32, #tpu.memory_space<hbm>>) target_semaphore(%arg13 : memref<!tpu.dma_semaphore, #tpu.memory_space<semaphore_mem>>)
    %add3A_125 = arith.constant 49152 : i32
    %add3A_126 = arith.addi %mul3A_2, %add3A_125 : i32
    %dma_wait3A_127 = tpu.memref_slice %arg4[%add3A_126] : memref<2097152xf32, #tpu.memory_space<hbm>> -> memref<8192xf32, #tpu.memory_space<hbm>>
    %dma_wait3A_128 = tpu.memref_slice %arg4[%add3A_126] : memref<2097152xf32, #tpu.memory_space<hbm>> -> memref<8192xf32, #tpu.memory_space<hbm>>
    tpu.wait_dma2 semaphore(%arg12 : memref<!tpu.dma_semaphore, #tpu.memory_space<semaphore_mem>>) src(%arg8 : memref<8192xf32, #tpu.memory_space<vmem>>) dst(%dma_wait3A_128 : memref<8192xf32, #tpu.memory_space<hbm>>)
    %add3A_129 = arith.constant 57344 : i32
    %add3A_130 = arith.addi %mul3A_2, %add3A_129 : i32
    %dma_wait3A_131 = tpu.memref_slice %arg4[%add3A_130] : memref<2097152xf32, #tpu.memory_space<hbm>> -> memref<8192xf32, #tpu.memory_space<hbm>>
    %dma_wait3A_132 = tpu.memref_slice %arg4[%add3A_130] : memref<2097152xf32, #tpu.memory_space<hbm>> -> memref<8192xf32, #tpu.memory_space<hbm>>
    tpu.wait_dma2 semaphore(%arg13 : memref<!tpu.dma_semaphore, #tpu.memory_space<semaphore_mem>>) src(%arg9 : memref<8192xf32, #tpu.memory_space<vmem>>) dst(%dma_wait3A_132 : memref<8192xf32, #tpu.memory_space<hbm>>)
    return
  }
}

</mosaic_0001>

<sc_bundles>
// kernel: kernel.3.cloned.1.call-start
scs
__scs_entry_jumppad:
0x0: {  	(pc) =	sbr.rel $0x88, $3  }
0x1: {  	(tag) =	ssettag $0x0;
	lr =	simm.s32 $0x1  }
0x2: {  	[smem:$0x3F9F] =	sst lr;
	_ =	strace $0xD0000000  }
0x3: {  	_ = 	snop  }
0x4: {  	_ = 	snop  }
0x5: {  	_ = 	snop  }
0x6: {  	_ = 	snop  }
0x7: {  	_ = 	snop  }
__scs_overlays_trampoline_lowered:
0x8: {  	[smem:$0x3FAE] =	sst s0  }
0x9: {  	[smem:$0x3FAF] =	sst s1  }
0xa: {  	[smem:$0x3FB0] =	sst s2  }
0xb: {  	[smem:$0x3FB1] =	sst s3  }
0xc: {  	[smem:$0x3FB2] =	sst s4  }
0xd: {  	[smem:$0x3FB3] =	sst s5  }
0xe: {  	[smem:$0x3FB4] =	sst s6  }
0xf: {  	[smem:$0x3FB5] =	sst s7  }
0x10: {  	[smem:$0x3FB6] =	sst s8  }
0x11: {  	[smem:$0x3FB7] =	sst s9;
	s0 =	simm.s32 @!p0 $0x0  }
0x12: {  	s1 =	sld [smem:$0x3F9D];
	s0 =	simm.s32 @p0 $0x1  }
0x13: {  	[smem:$0x3FB8] =	sst s0;
	s0 =	simm.s32 @!p1 $0x0  }
0x14: {  	s2 =	sld [smem:$0x3F9C];
	s0 =	simm.s32 @p1 $0x1  }
0x15: {  	[smem:$0x3FB9] =	sst s0;
	s0 =	simm.s32 @!p2 $0x0  }
0x16: {  	s3 =	sld [smem:$0x3FDB];
	s0 =	simm.s32 @p2 $0x1  }
0x17: {  	s4 =	simm.s32 $0x1BF5;
	[smem:$0x3FBB] =	sst s0  }
0x18: {  	s0 =	sld [smem:$0x3F9E];
	_ =	swait.ge [sflag:s4], $0x0  }
0x19: {  	s7 =	sld [smem:$0x3F9F]  }
0x1a: {  	s8 =	sadd.s32 $0xFFFFE003, lr  }
0x1b: {  	s9 =	sadd.s32 $0xFFFFFEF7, lr;
	s5 =	simm.s32 $0xFFFFFFFF;
	p2 =	slt.u32 s8, $0xFFFFF086  }
0x1c: {  	p1 =	slt.u32 s9, $0xF7A;
	s5 =	simm.s32 @!p2 $0x0  }
0x1d: {  	s5 =	simm.s32 @p1 $0x1;
	p0 =	seq.s32 s7, s2  }
0x1e: {  	s7 =	smul.u32 @!p0 $0xF7A, s2;
	p2 =	seq.s32 @!p0 s5, $0x0  }
0x1f: {  	s9 =	smul.u32 $0xF7A, s1;
	s8 =	simm.s32 @!p0 $0x1BF5;
	p2 =	por !p2, p0  }
0x20: {  	[sflag:s8] =	ssyncset.s32 @!p0 $0xFFFFF086;
	s6 =	sadd.s32 @!p0 s3, s7;
	s7 =	simm.s32 @!p0 $0x108  }
0x21: {  	s3 =	sadd.s32 s3, s9;
	s6 =	sadd.s32 @!p0 $0x88, s6;
	s7 =	simm.s32 @p2 $0x1082  }
0x22: {  	[simem:s7], [sflag:s8] =	dma.local @!p0 [hbm:s6], $0xF7A  }
0x23: {  	s9 =	sor.u32 $0xD0000000, s2;
	s6 =	simm.s32 $0x108;
	_ =	swait.ge @!p0 [sflag:s8], $0x0  }
0x24: {  	s3 =	sadd.s32 $0x88, s3;
	s6 =	simm.s32 @!p1 $0x1082;
	[sflag:s4] =	ssyncset.s32 $0xFFFFF086  }
0x25: {  	[simem:s6], [sflag:s4] =	dma.local [hbm:s3], $0xF7A  }
0x26: {  	[smem:$0x3F9F] =	sst s1;
	(tag) =	ssettag s2;
	_ =	strace s9  }
0x27: {  	s1 =	sld [smem:$0x3FAF]  }
0x28: {  	s2 =	sld [smem:$0x3FB0]  }
0x29: {  	s4 =	sld [smem:$0x3FB2]  }
0x2a: {  	p0 =	seq.s32 s5, $0x0;
	s5 =	sld [smem:$0x3FB3]  }
0x2b: {  	s6 =	sld [smem:$0x3FB4]  }
0x2c: {  	s7 =	sld [smem:$0x3FB5]  }
0x2d: {  	s3 =	simm.s32 $0x108;
	s8 =	sld [smem:$0x3FB6]  }
0x2e: {  	s3 =	simm.s32 @!p0 $0x1082;
	s9 =	sld [smem:$0x3FB7]  }
0x2f: {  	lr =	sadd.s32 s0, s3;
	s0 =	sld [smem:$0x3FAE]  }
0x30: {  	s3 =	sld [smem:$0x3FB1]  }
0x31: {  	[smem:$0x3FBA] =	sst s10  }
0x32: {  	s10 =	sld [smem:$0x3FB8];
	_ =	sdelay $0x3  }
0x33: {  	p0 =	seq.s32 s10, $0x1;
	s10 =	sld [smem:$0x3FBA];
	_ =	sdelay $0x3  }
0x34: {  	[smem:$0x3FBA] =	sst s10  }
0x35: {  	s10 =	sld [smem:$0x3FB9];
	_ =	sdelay $0x3  }
0x36: {  	p1 =	seq.s32 s10, $0x1;
	s10 =	sld [smem:$0x3FBA];
	_ =	sdelay $0x3  }
0x37: {  	[smem:$0x3FBA] =	sst s10  }
0x38: {  	s10 =	sld [smem:$0x3FBB]  }
0x39: {  	_ = 	snop;
	(pc) =	sbr.ind lr, $3  }
0x3a: {  	_ = 	snop  }
0x3b: {  	_ = 	snop  }
0x3c: {  	p2 =	seq.s32 s10, $0x1;
	s10 =	sld [smem:$0x3FBA]  }
0x3d: {  	_ =	shalt  }
0x3e: {  	_ =	shalt  }
0x3f: {  	_ =	shalt  }
0x40: {  	_ =	shalt  }
0x41: {  	_ =	shalt  }
0x42: {  	_ =	shalt  }
0x43: {  	_ =	shalt  }
0x44: {  	_ =	shalt  }
0x45: {  	_ =	shalt  }
0x46: {  	_ =	shalt  }
0x47: {  	_ =	shalt  }
0x48: {  	_ =	shalt  }
0x49: {  	_ =	shalt  }
0x4a: {  	_ =	shalt  }
0x4b: {  	_ =	shalt  }
0x4c: {  	_ =	shalt  }
0x4d: {  	_ =	shalt  }
0x4e: {  	_ =	shalt  }
0x4f: {  	_ =	shalt  }
0x50: {  	_ =	shalt  }
0x51: {  	_ =	shalt  }
0x52: {  	_ =	shalt  }
0x53: {  	_ =	shalt  }
0x54: {  	_ =	shalt  }
0x55: {  	_ =	shalt  }
0x56: {  	_ =	shalt  }
0x57: {  	_ =	shalt  }
0x58: {  	_ =	shalt  }
0x59: {  	_ =	shalt  }
0x5a: {  	_ =	shalt  }
0x5b: {  	_ =	shalt  }
0x5c: {  	_ =	shalt  }
0x5d: {  	_ =	shalt  }
0x5e: {  	_ =	shalt  }
0x5f: {  	_ =	shalt  }
0x60: {  	_ =	shalt  }
0x61: {  	_ =	shalt  }
0x62: {  	_ =	shalt  }
0x63: {  	_ =	shalt  }
0x64: {  	_ =	shalt  }
0x65: {  	_ =	shalt  }
0x66: {  	_ =	shalt  }
0x67: {  	_ =	shalt  }
0x68: {  	_ =	shalt  }
0x69: {  	_ =	shalt  }
0x6a: {  	_ =	shalt  }
0x6b: {  	_ =	shalt  }
0x6c: {  	_ =	shalt  }
0x6d: {  	_ =	shalt  }
0x6e: {  	_ =	shalt  }
0x6f: {  	_ =	shalt  }
0x70: {  	_ =	shalt  }
0x71: {  	_ =	shalt  }
0x72: {  	_ =	shalt  }
0x73: {  	_ =	shalt  }
0x74: {  	_ =	shalt  }
0x75: {  	_ =	shalt  }
0x76: {  	_ =	shalt  }
0x77: {  	_ =	shalt  }
0x78: {  	_ =	shalt  }
0x79: {  	_ =	shalt  }
0x7a: {  	_ =	shalt  }
0x7b: {  	_ =	shalt  }
0x7c: {  	_ =	shalt  }
0x7d: {  	_ =	shalt  }
0x7e: {  	_ =	shalt  }
0x7f: {  	_ =	shalt  }
0x80: {  	_ =	shalt  }
0x81: {  	_ =	shalt  }
0x82: {  	_ =	shalt  }
0x83: {  	_ =	shalt  }
0x84: {  	_ =	shalt  }
0x85: {  	_ =	shalt  }
0x86: {  	_ =	shalt  }
0x87: {  	_ =	shalt  }
.Lfunc_end0:
.L_simem_size_0:
called_computation_lowered:
.L_overlay_start_0:
0x88: {  	s2 =	sld [smem:$0x3FD9]  }
0x89: {  	s3 =	sld [smem:$0x3FFE];
	_ =	sdelay $0x1  }
0x8a: {  	s1 =	srdreg.scid  }
0x8b: {  	s0 =	sand.u32 $0x1, s1  }
0x8c: {  	s18 =	sshll.u32 s0, $0xA;
	s2 =	sadd.s32 s3, s2  }
0x8d: {  	s2 =	sadd.s32 s2, s18  }
0x8e: {  	[smem:$0x3FC6] =	sst s2  }
0x8f: {  	_ = 	snop  }
0x90: {  	s2 =	sld [smem:$0x3FC9]  }
0x91: {  	s19 =	sld [smem:$0x3FC8]  }
0x92: {  	s4 =	sld [smem:$0x3FD0];
	(tm) =	ssettm $0x1  }
0x93: {  	s5 =	sld [smem:$0x3FFB];
	_ =	sdelay $0x3  }
0x94: {  	_ =	strace s5  }
0x95: {  	s5 =	sld [smem:$0x3FFC];
	_ =	sdelay $0x3  }
0x96: {  	_ =	strace s5  }
0x97: {  	s5 =	sld [smem:$0x3FFD];
	_ =	sdelay $0x3  }
0x98: {  	_ =	strace s5  }
0x99: {  	_ =	strace $0x8FFFFFFF  }
0x9a: {  	s20 =	sld [smem:$0x3FDB];
	_ =	sdelay $0x1  }
0x9b: {  	s6 =	simm.s32 $_scs_section_size  }
0x9c: {  	s7 =	simm.s32 $_size__tile_overlayer_lowered;
	s8 =	simm.s32 $_tile_overlayer_lowered  }
0x9d: {  	s23 =	simm.s32 $0x1BFF;
	s22 =	sshll.u32 s8, $0x1;
	s5 =	sadd.s32 s6, s20  }
0x9e: {  	s9 =	simm.s32 $0x0;
	s21 =	sshll.u32 s7, $0x1;
	s7 =	sadd.s32 s22, s5  }
0x9f: {  	[timem:s9], [sflag:s23] =	dma.local [hbm:s7], s21  }
0xa0: {  	_ =	swait.ge [sflag:s23], s21  }
0xa1: {  	s6 =	ssub.s32 $0x0, s21;
	[sflag:s23] =	ssyncset.done $0x0  }
0xa2: {  	[sflag:s23] =	ssyncadd.s32 s6;
	_ =	sdelay $0x1  }
0xa3: {  	s24 =	simm.s32 $0x1B8B  }
0xa4: {  	_ =	swait.ge [sflag:s24], $0x1  }
0xa5: {  	[sflag:s24] =	ssyncset.done $0x0  }
0xa6: {  	s25 =	simm.s32 $0x1B8E;
	[sflag:s24] =	ssyncadd.s32 $0xFFFFFFFF  }
0xa7: {  	s26 =	simm.s32 $execute0_lowered;
	[smem:$0x3FD2] =	sst s25  }
0xa8: {  	s6 =	sshll.u32 s26, $0x1;
	_ =	strace $0x80000046;
	[dreg:$0x1] =	wrdreg $0xFFFFFFFF  }
0xa9: {  	s28 =	simm.s32 $_size_execute0_lowered;
	s5 =	sadd.s32 s5, s6;
	[dreg:$0x0] =	wrdreg $0x0  }
0xaa: {  	s6 =	sshll.u32 s28, $0x1;
	[dreg:$0x2] =	wrdreg s5  }
0xab: {  	[dreg:$0x3] =	wrdreg s6  }
0xac: {  	[dreg:$0x4] =	wrdreg $0xC0  }
0xad: {  	_ =	task [dreg:s9], $0x5FFFF  }
0xae: {  	[dreg:$0x1] =	wrdreg $0xFFFFFFFF  }
0xaf: {  	[dreg:$0x0] =	wrdreg $0x60  }
0xb0: {  	[dreg:$0x2] =	wrdreg s2  }
0xb1: {  	[dreg:$0x3] =	wrdreg s19  }
0xb2: {  	[dreg:$0x4] =	wrdreg s4  }
0xb3: {  	[dreg:$0x5] =	wrdreg $0x9  }
0xb4: {  	_ =	task.clear_ibuf [dreg:s9], $0x6FFFF;
	_ =	strace $0x90000046  }
0xb5: {  	s29 =	simm.s32 $0x9;
	_ =	strace $0x80000048  }
0xb6: {  	_ =	swait.ge [sflag:s29], $0x1  }
0xb7: {  	[sflag:s29] =	ssyncadd.s32 $0xFFFFFFFF  }
0xb8: {  	_ =	strace $0x90000048  }
0xb9: {  	_ =	sfence  }
0xba: {  	s30 =	sld [smem:$0x0];
	_ =	sdelay $0x2  }
0xbb: {  	s31 =	sshll.u32 s1, $0xD;
	s1 =	sshrl.u32 s1, $0x2  }
0xbc: {  	s3 =	sand.u32 $0x4000, s31;
	s1 =	sadd.s32 s1, s30  }
0xbd: {  	s0 =	sor.u32 s3, s0;
	s1 =	sshll.u32 s1, $0x11  }
0xbe: {  	s0 =	sor.u32 s1, s0  }
0xbf: {  	s0 =	sadd.s32 $0x8F2B, s0  }
0xc0: {  	[sflag:s0] =	ssyncadd.remote.s32 $0x1  }
0xc1: {  	_ =	sfence.sel $0xFFFF  }
0xc2: {  	[dreg:$0x0] =	wrdreg $0xFFFFFFFF;
	(pc) =	sbr.abs _section_cstart, $3  }
0xc3: {  	[dreg:$0x1] =	wrdreg $0xFFFFFFFF  }
0xc4: {  	_ =	task.clear_ibuf [dreg:s9], $0x2FFFF;
	_ =	strace $0x9FFFFFFF  }
0xc5: {  	(tm) =	ssettm $0x7FFFFFFF  }
tec
execute0_lowered:
.L_overlay_start_1:
0x0: {  	(tag) =	ssettag $0x1  }
0x1: {  	s0 =	rddreg [dreg:$0x1]  }
0x2: {  	s1 =	rddreg [dreg:$0x2];
	s2 =	srdreg.scid;
	s3 =	simm.s32 $0x0  }
0x3: {  	s5 =	stileid.u32;
	s21 =	simm.s32 $0x10000;
	s22 =	simm.s32 $0x5  }
0x4: {  	s23 =	simm.s32 $0x12000;
	s24 =	simm.s32 $0x1;
	s25 =	simm.s32 $0x14000  }
0x5: {  	s26 =	simm.s32 $0x2;
	s28 =	simm.s32 $0x16000;
	s29 =	simm.s32 $0x3  }
0x6: {  	s30 =	simm.s32 $0x4;
	s31 =	simm.s32 $0x0;
	s2 =	sand.u32 $0x1, s2  }
0x7: {  	s5 =	sshll.u32 s5, $0xE;
	s4 =	ssub.s32 $0x2, s2;
	s2 =	sshll.u32 s2, $0xD  }
0x8: {  	[smem:$0x7FF] =	sst s3;
	s6 =	sshrl.u32 s4, $0x1;
	s2 =	sor.u32 s2, s5  }
0x9: {  	_ =	strace $0x80000047;
	s4 =	ssub.s32 s4, s6;
	s8 =	sor.u32 $0x400, s2  }
0xa: {  	s5 =	sadd.s32 s0, s2;
	s10 =	sor.u32 $0x800, s2;
	s6 =	sadd.s32 s1, s2  }
0xb: {  	s12 =	sor.u32 $0xC00, s2;
	s14 =	sor.u32 $0x1000, s2;
	s16 =	sor.u32 $0x1400, s2  }
0xc: {  	s18 =	sor.u32 $0x1800, s2;
	s2 =	sor.u32 $0x1C00, s2;
	[dreg:$0x4] =	wrdreg s5  }
0xd: {  	s5 =	sadd.s32 s0, s8;
	s7 =	sadd.s32 s0, s10;
	s8 =	sadd.s32 s1, s8  }
0xe: {  	s9 =	sadd.s32 s0, s12;
	s10 =	sadd.s32 s1, s10;
	s11 =	sadd.s32 s0, s14  }
0xf: {  	s12 =	sadd.s32 s1, s12;
	s13 =	sadd.s32 s0, s16;
	s14 =	sadd.s32 s1, s14  }
0x10: {  	s15 =	sadd.s32 s0, s18;
	s16 =	sadd.s32 s1, s16;
	s17 =	sadd.s32 s0, s2  }
0x11: {  	s18 =	sadd.s32 s1, s18;
	s19 =	sadd.s32 s1, s2;
	s20 =	smax.u32 s4, $0x1  }
.LBB2_1:
0x12: {  	s0 =	rddreg [dreg:$0x4]  }
0x13: {  	[tilespmem:s21], [sflag:$0x1] =	stream.linear.gather [hbm4b:s0+s3], $0x2000, $0x38;
	[tilespmem:$0x18000] =	vst v63  }
0x14: {  	s4 =	rddreg [dreg:$0x0]  }
0x15: {  	[tilespmem:s3], [sflag:$0x5] =	stream.linear.gather [hbm4b:s4+s3], $0x10000, $0x38;
	[tilespmem:$0x18000] =	vst v63  }
0x16: {  	_ =	swait.ge [sflag:s22], $0x10000  }
0x17: {  	[sflag:s22] =	ssyncset.done $0x0  }
0x18: {  	[sflag:s22] =	ssyncadd.s32 $0xFFFF0000  }
0x19: {  	[tilespmem:s23], [sflag:$0x2] =	stream.linear.gather [hbm4b:s5+s3], $0x2000, $0x38;
	[tilespmem:$0x18000] =	vst v63  }
0x1a: {  	_ =	swait.ge [sflag:s24], $0x2000  }
0x1b: {  	[sflag:s24] =	ssyncset.done $0x0  }
0x1c: {  	s1 =	simm.s32 $0x10020;
	[sflag:s24] =	ssyncadd.s32 $0xFFFFE000  }
0x1d: {  	v0 =	vld [tilespmem:s1+$0x10];
	_ =	sdelay $0x1  }
0x1e: {  	v3 =	vld [tilespmem:s1+$0xFFFFFFE0];
	_ =	sdelay $0x1  }
0x1f: {  	v2 =	vld [tilespmem:s1+$0x0]  }
0x20: {  	v0 =	vmul.f32 $6.553500000e+04, v0  }
0x21: {  	v1 =	vld [tilespmem:s1+$0xFFFFFFF0]  }
0x22: {  	v3 =	vmul.f32 $6.553500000e+04, v3;
	v4 =	vtrunc.f32 v0  }
0x23: {  	v4 =	vcvt.f32.s32 v4  }
0x24: {  	v2 =	vmul.f32 $6.553500000e+04, v2;
	v8 =	vtrunc.f32 v3  }
0x25: {  	v8 =	vcvt.f32.s32 v8;
	vm0 =	vgt.s32 v4, $0x0  }
0x26: {  	v1 =	vmul.f32 $6.553500000e+04, v1;
	v7 =	vtrunc.f32 v2;
	v4 =	vnsel vm0, $0x0, v4  }
0x27: {  	s2 =	simm.s32 $0x10060;
	v7 =	vcvt.f32.s32 v7;
	vm0 =	vgt.s32 v8, $0x0;
	v4 =	vmin.u32 v4, $0xFFFE  }
0x28: {  	v9 =	vld [tilespmem:s2+$0x10];
	v8 =	vnsel vm0, $0x0, v8;
	v6 =	vadd.s32 $0x1, v4  }
0x29: {  	v11 =	vld [tilespmem:s2+$0xFFFFFFF0];
	v5 =	vtrunc.f32 v1;
	vm0 =	vgt.s32 v7, $0x0;
	v8 =	vmin.u32 v8, $0xFFFE  }
0x2a: {  	v14 =	vld [tilespmem:s2+$0xFFFFFFE0];
	v5 =	vcvt.f32.s32 v5;
	v7 =	vnsel vm0, $0x0, v7;
	v15 =	vcvt.s32.f32 v8  }
0x2b: {  	v17 =	vld [tilespmem:s2+$0x0];
	v7 =	vmin.u32 v7, $0xFFFE  }
0x2c: {  	vm1 =	vgt.s32 v5, $0x0;
	v15 =	vsub.f32 v3, v15;
	v3 =	vcvt.s32.f32 v7;
	v10 =	vld.idx.msk [tilespmem:v4+s3+$0x0], $0xffff  }
0x2d: {  	s4 =	simm.s32 $0x100A0;
	v9 =	vmul.f32 $6.553500000e+04, v9;
	v5 =	vnsel vm1, $0x0, v5;
	v6 =	vld.idx.msk [tilespmem:v6+s3+$0x0], $0xffff  }
0x2e: {  	v5 =	vmin.u32 v5, $0xFFFE;
	v12 =	vadd.s32 $0x1, v8;
	v21 =	vsub.f32 v2, v3;
	v3 =	vld [tilespmem:s4+$0x10]  }
0x2f: {  	v16 =	vcvt.s32.f32 v5;
	v4 =	vcvt.s32.f32 v4  }
0x30: {  	v19 =	vtrunc.f32 v9;
	v13 =	vadd.s32 $0x1, v5;
	v18 =	vadd.s32 $0x1, v7  }
0x31: {  	v16 =	vsub.f32 v1, v16;
	v1 =	vcvt.f32.s32 v19;
	v0 =	vsub.f32 v0, v4  }
0x32: {  	v4 =	vsub.f32 v6, v10;
	v6 =	vld.idx.msk [tilespmem:v8+s3+$0x0], $0xffff;
	v8 =	vmul.f32 $6.553500000e+04, v11;
	v11 =	vmul.f32 $6.553500000e+04, v14  }
0x33: {  	vm0 =	vgt.s32 v1, $0x0;
	v12 =	vld.idx.msk [tilespmem:v12+s3+$0x0], $0xffff;
	v14 =	vmul.f32 $6.553500000e+04, v17;
	v3 =	vmul.f32 $6.553500000e+04, v3  }
0x34: {  	v22 =	vld.idx.msk [tilespmem:v5+s3+$0x0], $0xffff;
	v1 =	vnsel vm0, $0x0, v1;
	v0 =	vmul.f32 v0, v4;
	v17 =	vtrunc.f32 v11  }
0x35: {  	v1 =	vmin.u32 v1, $0xFFFE;
	v4 =	vld.idx.msk [tilespmem:v13+s3+$0x0], $0xffff;
	v13 =	vtrunc.f32 v8;
	v17 =	vcvt.f32.s32 v17  }
0x36: {  	v19 =	vadd.s32 $0x1, v1;
	v2 =	vtrunc.f32 v14;
	v13 =	vcvt.f32.s32 v13  }
0x37: {  	v24 =	vld [tilespmem:s4+$0xFFFFFFF0];
	v2 =	vcvt.f32.s32 v2;
	v20 =	vadd.f32 v0, v10;
	vm0 =	vgt.s32 v17, $0x0  }
0x38: {  	v0 =	vld.idx.msk [tilespmem:v7+s3+$0x0], $0xffff;
	vm1 =	vgt.s32 v13, $0x0;
	v5 =	vsub.f32 v12, v6;
	v7 =	vnsel vm0, $0x0, v17  }
0x39: {  	v18 =	vld.idx.msk [tilespmem:v18+s3+$0x0], $0xffff;
	v10 =	vnsel vm1, $0x0, v13;
	vm0 =	vgt.s32 v2, $0x0;
	v7 =	vmin.u32 v7, $0xFFFE  }
0x3a: {  	v27 =	vld [tilespmem:s4+$0x0];
	v13 =	vmin.u32 v10, $0xFFFE;
	v2 =	vnsel vm0, $0x0, v2;
	v29 =	vsub.f32 v4, v22  }
0x3b: {  	v19 =	vld.idx.msk [tilespmem:v19+s3+$0x0], $0xffff;
	v15 =	vmul.f32 v15, v5;
	v23 =	vmin.u32 v2, $0xFFFE;
	v2 =	vcvt.s32.f32 v7  }
0x3c: {  	v17 =	vld.idx.msk [tilespmem:v1+s3+$0x0], $0xffff;
	v10 =	vadd.s32 $0x1, v7;
	v12 =	vadd.s32 $0x1, v13;
	v25 =	vcvt.s32.f32 v13  }
0x3d: {  	v26 =	vadd.s32 $0x1, v23;
	v28 =	vcvt.s32.f32 v23;
	v2 =	vsub.f32 v11, v2;
	v11 =	vld [tilespmem:s4+$0xFFFFFFE0]  }
0x3e: {  	v30 =	vsub.f32 v18, v0;
	v4 =	vsub.f32 v8, v25;
	v8 =	vcvt.s32.f32 v1  }
0x3f: {  	v62 =	vmul.f32 v16, v29;
	v1 =	vsub.f32 v14, v28;
	v14 =	vtrunc.f32 v3  }
0x40: {  	v14 =	vcvt.f32.s32 v14;
	v16 =	vsub.f32 v9, v8;
	v8 =	vmul.f32 $6.553500000e+04, v24  }
0x41: {  	v6 =	vadd.f32 v15, v6;
	v18 =	vsub.f32 v19, v17;
	v5 =	vld.idx.msk [tilespmem:v7+s3+$0x0], $0xffff;
	v7 =	vmul.f32 $6.553500000e+04, v27  }
0x42: {  	v63 =	vld.idx.msk [tilespmem:v10+s3+$0x0], $0xffff;
	vm0 =	vgt.s32 v14, $0x0;
	v15 =	vtrunc.f32 v8;
	v9 =	vmul.f32 $6.553500000e+04, v11  }
0x43: {  	s2 =	simm.s32 $0x14020;
	v13 =	vld.idx.msk [tilespmem:v13+s3+$0x0], $0xffff;
	v11 =	vmul.f32 v16, v18;
	v18 =	vtrunc.f32 v7;
	v14 =	vnsel vm0, $0x0, v14  }
0x44: {  	[tilespmem:s2+$0x10] =	vst v20;
	v10 =	vld.idx.msk [tilespmem:v12+s3+$0x0], $0xffff;
	v20 =	vcvt.f32.s32 v15;
	v12 =	vmin.u32 v14, $0xFFFE;
	v16 =	vtrunc.f32 v9  }
0x45: {  	v17 =	vadd.f32 v11, v17;
	v19 =	vcvt.f32.s32 v16;
	v16 =	vadd.s32 $0x1, v12  }
0x46: {  	s0 =	simm.s32 $0x14060;
	[tilespmem:s2+$0xFFFFFFE0] =	vst v6;
	v6 =	vld.idx.msk [tilespmem:v23+s3+$0x0], $0xffff;
	v18 =	vcvt.f32.s32 v18;
	v14 =	vmul.f32 v21, v30;
	vm1 =	vgt.s32 v20, $0x0  }
0x47: {  	s1 =	simm.s32 $0x8;
	s4 =	simm.s32 $0x100E0;
	v11 =	vld.idx.msk [tilespmem:v26+s3+$0x0], $0xffff;
	v15 =	vsub.f32 v63, v5;
	[tilespmem:s0+$0x10] =	vst v17;
	v17 =	vadd.f32 v62, v22;
	vm0 =	vgt.s32 v19, $0x0  }
.LBB2_2:
0x48: {  	v21 =	vld [tilespmem:s4+$0x10];
	s1 =	sadd.s32 $0x4, s1;
	v19 =	vnsel vm0, $0x0, v19;
	v20 =	vnsel vm1, $0x0, v20;
	vm0 =	vgt.s32 v18, $0x0;
	v22 =	vmovc v13  }
0x49: {  	p0 =	slt.u32 s1, $0x1FC;
	v13 =	vmin.u32 v19, $0xFFFE;
	v19 =	vmin.u32 v20, $0xFFFE;
	v18 =	vnsel vm0, $0x0, v18;
	v20 =	vld.idx.msk [tilespmem:v12+s3+$0x0], $0xffff;
	[tilespmem:s2+$0xFFFFFFF0] =	vst v17  }
0x4a: {  	v17 =	vadd.s32 $0x1, v13;
	v23 =	vadd.s32 $0x1, v19;
	v18 =	vmin.u32 v18, $0xFFFE;
	v16 =	vld.idx.msk [tilespmem:v16+s3+$0x0], $0xffff  }
0x4b: {  	v25 =	vcvt.s32.f32 v13;
	v26 =	vcvt.s32.f32 v19;
	v24 =	vld [tilespmem:s4+$0xFFFFFFF0];
	v27 =	vadd.s32 $0x1, v18  }
0x4c: {  	v30 =	vsub.f32 v11, v6;
	v10 =	vsub.f32 v10, v22;
	v29 =	vcvt.s32.f32 v18;
	v28 =	vld [tilespmem:s4+$0x0]  }
0x4d: {  	v9 =	vsub.f32 v9, v25;
	v31 =	vld [tilespmem:s4+$0xFFFFFFE0];
	v11 =	vmul.f32 $6.553500000e+04, v21;
	v21 =	vsub.f32 v8, v26  }
0x4e: {  	v26 =	vsub.f32 v7, v29;
	v7 =	vcvt.s32.f32 v12;
	v12 =	vmul.f32 v2, v15;
	v25 =	vld.idx.msk [tilespmem:v13+s3+$0x0], $0xffff  }
0x4f: {  	v29 =	vadd.f32 v14, v0;
	v2 =	vmovc v9;
	v8 =	vtrunc.f32 v11;
	v15 =	vld.idx.msk [tilespmem:v17+s3+$0x0], $0xffff;
	v17 =	vmul.f32 v4, v10  }
0x50: {  	v16 =	vsub.f32 v16, v20;
	v14 =	vcvt.f32.s32 v8;
	v10 =	vld.idx.msk [tilespmem:v23+s3+$0x0], $0xffff;
	v23 =	vsub.f32 v3, v7;
	v3 =	vmovc v11  }
0x51: {  	v4 =	vmovc v21;
	v8 =	vmul.f32 $6.553500000e+04, v24;
	v7 =	vmul.f32 $6.553500000e+04, v28;
	v11 =	vld.idx.msk [tilespmem:v27+s3+$0x0], $0xffff;
	v27 =	vadd.f32 v12, v5;
	[tilespmem:s2+$0x0] =	vst v29;
	s2 =	smov.u32 s0  }
0x52: {  	v0 =	vmovc v6;
	v9 =	vmul.f32 $6.553500000e+04, v31;
	vm0 =	vgt.s32 v14, $0x0;
	v13 =	vld.idx.msk [tilespmem:v19+s3+$0x0], $0xffff;
	v16 =	vmul.f32 v23, v16  }
.Ltmp0:
0x53: {  	v21 =	vtrunc.f32 v8;
	v23 =	vtrunc.f32 v7;
	v12 =	vnsel vm0, $0x0, v14;
	v6 =	vld.idx.msk [tilespmem:v18+s3+$0x0], $0xffff;
	[tilespmem:s0+$0xFFFFFFE0] =	vst v27;
	(pc) =	sbr.rel @p0 .LBB2_2-.Ltmp0, $4  }
0x54: {  	v5 =	vmovc v25;
	v14 =	vtrunc.f32 v9;
	v12 =	vmin.u32 v12, $0xFFFE;
	v24 =	vadd.f32 v16, v20  }
0x55: {  	s0 =	sadd.s32 $0x40, s0;
	v20 =	vcvt.f32.s32 v21;
	v19 =	vcvt.f32.s32 v14;
	v16 =	vadd.s32 $0x1, v12  }
0x56: {  	v18 =	vcvt.f32.s32 v23;
	v15 =	vsub.f32 v15, v5;
	v14 =	vmul.f32 v1, v30;
	v1 =	vmovc v26;
	[tilespmem:s0+$0x10] =	vst v24  }
0x57: {  	s4 =	sadd.s32 $0x40, s4;
	v17 =	vadd.f32 v17, v22;
	vm1 =	vgt.s32 v20, $0x0;
	vm0 =	vgt.s32 v19, $0x0  }
0x58: {  	v19 =	vnsel vm0, $0x0, v19  }
0x59: {  	v20 =	vnsel vm1, $0x0, v20;
	v19 =	vmin.u32 v19, $0xFFFE  }
0x5a: {  	v20 =	vmin.u32 v20, $0xFFFE  }
0x5b: {  	vm0 =	vgt.s32 v18, $0x0;
	v21 =	vadd.s32 $0x1, v19  }
0x5c: {  	v23 =	vld.idx.msk [tilespmem:v12+s3+$0x0], $0xffff;
	v18 =	vnsel vm0, $0x0, v18;
	v22 =	vadd.s32 $0x1, v20  }
0x5d: {  	v16 =	vld.idx.msk [tilespmem:v16+s3+$0x0], $0xffff;
	v18 =	vmin.u32 v18, $0xFFFE  }
0x5e: {  	v24 =	vadd.s32 $0x1, v18;
	v25 =	vld.idx.msk [tilespmem:v19+s3+$0x0], $0xffff  }
0x5f: {  	v26 =	vcvt.s32.f32 v20;
	v20 =	vld.idx.msk [tilespmem:v20+s3+$0x0], $0xffff  }
0x60: {  	v12 =	vcvt.s32.f32 v12;
	v21 =	vld.idx.msk [tilespmem:v21+s3+$0x0], $0xffff  }
0x61: {  	v10 =	vsub.f32 v10, v13;
	v2 =	vmul.f32 v2, v15;
	v22 =	vld.idx.msk [tilespmem:v22+s3+$0x0], $0xffff  }
0x62: {  	v3 =	vsub.f32 v3, v12;
	v12 =	vsub.f32 v16, v23;
	v16 =	vld.idx.msk [tilespmem:v18+s3+$0x0], $0xffff  }
0x63: {  	v4 =	vmul.f32 v4, v10;
	v2 =	vadd.f32 v2, v5;
	v24 =	vld.idx.msk [tilespmem:v24+s3+$0x0], $0xffff  }
0x64: {  	v11 =	vsub.f32 v11, v6;
	v0 =	vadd.f32 v14, v0;
	v19 =	vcvt.s32.f32 v19  }
0x65: {  	v8 =	vsub.f32 v8, v26;
	[tilespmem:s0+$0xFFFFFFE0] =	vst v2;
	v2 =	vadd.f32 v4, v13;
	v3 =	vmul.f32 v3, v12  }
0x66: {  	v27 =	vcvt.s32.f32 v18;
	v9 =	vsub.f32 v9, v19;
	v5 =	vsub.f32 v21, v25  }
0x67: {  	[tilespmem:s2+$0x0] =	vst v0;
	v1 =	vmul.f32 v1, v11;
	v0 =	vadd.f32 v3, v23;
	v3 =	vsub.f32 v22, v20  }
0x68: {  	s1 =	sadd.s32 $0x40, s0;
	[tilespmem:s2+$0xFFFFFFF0] =	vst v17;
	v7 =	vsub.f32 v7, v27;
	v4 =	vsub.f32 v24, v16;
	v5 =	vmul.f32 v9, v5  }
0x69: {  	v1 =	vadd.f32 v1, v6;
	[tilespmem:s1+$0x10] =	vst v0;
	v0 =	vmul.f32 v8, v3  }
0x6a: {  	[tilespmem:s0+$0xFFFFFFF0] =	vst v2;
	v3 =	vmul.f32 v7, v4;
	v2 =	vadd.f32 v5, v25  }
0x6b: {  	[tilespmem:s0+$0x0] =	vst v1;
	v0 =	vadd.f32 v0, v20  }
0x6c: {  	v1 =	vadd.f32 v3, v16;
	[tilespmem:s1+$0xFFFFFFE0] =	vst v2  }
0x6d: {  	[tilespmem:s1+$0xFFFFFFF0] =	vst v0  }
0x6e: {  	[tilespmem:s1+$0x0] =	vst v1  }
0x6f: {  	[hbm4b:s6+s3] =	stream.linear.scatter [tilespmem:s25], [sflag:$0x3], $0x2000, $0x38;
	[tilespmem:$0x18000] =	vst v63  }
0x70: {  	_ = 	snop  }
0x71: {  	[tilespmem:s21], [sflag:$0x1] =	stream.linear.gather [hbm4b:s7+s3], $0x2000, $0x38;
	[tilespmem:$0x18000] =	vst v63  }
0x72: {  	_ =	swait.ge [sflag:s26], $0x2000  }
0x73: {  	[sflag:s26] =	ssyncset.done $0x0  }
0x74: {  	s1 =	simm.s32 $0x12020;
	[sflag:s26] =	ssyncadd.s32 $0xFFFFE000  }
0x75: {  	v0 =	vld [tilespmem:s1+$0x10];
	_ =	sdelay $0x1  }
0x76: {  	v3 =	vld [tilespmem:s1+$0xFFFFFFE0];
	_ =	sdelay $0x1  }
0x77: {  	v2 =	vld [tilespmem:s1+$0x0]  }
0x78: {  	v0 =	vmul.f32 $6.553500000e+04, v0  }
0x79: {  	v1 =	vld [tilespmem:s1+$0xFFFFFFF0]  }
0x7a: {  	v3 =	vmul.f32 $6.553500000e+04, v3;
	v4 =	vtrunc.f32 v0  }
0x7b: {  	v4 =	vcvt.f32.s32 v4  }
0x7c: {  	v2 =	vmul.f32 $6.553500000e+04, v2;
	v8 =	vtrunc.f32 v3  }
0x7d: {  	v8 =	vcvt.f32.s32 v8;
	vm0 =	vgt.s32 v4, $0x0  }
0x7e: {  	v1 =	vmul.f32 $6.553500000e+04, v1;
	v7 =	vtrunc.f32 v2;
	v4 =	vnsel vm0, $0x0, v4  }
0x7f: {  	s2 =	simm.s32 $0x12060;
	v7 =	vcvt.f32.s32 v7;
	vm0 =	vgt.s32 v8, $0x0;
	v4 =	vmin.u32 v4, $0xFFFE  }
0x80: {  	v9 =	vld [tilespmem:s2+$0x10];
	v8 =	vnsel vm0, $0x0, v8;
	v6 =	vadd.s32 $0x1, v4  }
0x81: {  	v11 =	vld [tilespmem:s2+$0xFFFFFFF0];
	v5 =	vtrunc.f32 v1;
	vm0 =	vgt.s32 v7, $0x0;
	v8 =	vmin.u32 v8, $0xFFFE  }
0x82: {  	v14 =	vld [tilespmem:s2+$0xFFFFFFE0];
	v5 =	vcvt.f32.s32 v5;
	v7 =	vnsel vm0, $0x0, v7;
	v15 =	vcvt.s32.f32 v8  }
0x83: {  	v17 =	vld [tilespmem:s2+$0x0];
	v7 =	vmin.u32 v7, $0xFFFE  }
0x84: {  	vm1 =	vgt.s32 v5, $0x0;
	v15 =	vsub.f32 v3, v15;
	v3 =	vcvt.s32.f32 v7;
	v10 =	vld.idx.msk [tilespmem:v4+s3+$0x0], $0xffff  }
0x85: {  	s4 =	simm.s32 $0x120A0;
	v9 =	vmul.f32 $6.553500000e+04, v9;
	v5 =	vnsel vm1, $0x0, v5;
	v6 =	vld.idx.msk [tilespmem:v6+s3+$0x0], $0xffff  }
0x86: {  	v5 =	vmin.u32 v5, $0xFFFE;
	v12 =	vadd.s32 $0x1, v8;
	v21 =	vsub.f32 v2, v3;
	v3 =	vld [tilespmem:s4+$0x10]  }
0x87: {  	v16 =	vcvt.s32.f32 v5;
	v4 =	vcvt.s32.f32 v4  }
0x88: {  	v19 =	vtrunc.f32 v9;
	v13 =	vadd.s32 $0x1, v5;
	v18 =	vadd.s32 $0x1, v7  }
0x89: {  	v16 =	vsub.f32 v1, v16;
	v1 =	vcvt.f32.s32 v19;
	v0 =	vsub.f32 v0, v4  }
0x8a: {  	v4 =	vsub.f32 v6, v10;
	v6 =	vld.idx.msk [tilespmem:v8+s3+$0x0], $0xffff;
	v8 =	vmul.f32 $6.553500000e+04, v11;
	v11 =	vmul.f32 $6.553500000e+04, v14  }
0x8b: {  	vm0 =	vgt.s32 v1, $0x0;
	v12 =	vld.idx.msk [tilespmem:v12+s3+$0x0], $0xffff;
	v14 =	vmul.f32 $6.553500000e+04, v17;
	v3 =	vmul.f32 $6.553500000e+04, v3  }
0x8c: {  	v22 =	vld.idx.msk [tilespmem:v5+s3+$0x0], $0xffff;
	v1 =	vnsel vm0, $0x0, v1;
	v0 =	vmul.f32 v0, v4;
	v17 =	vtrunc.f32 v11  }
0x8d: {  	v1 =	vmin.u32 v1, $0xFFFE;
	v4 =	vld.idx.msk [tilespmem:v13+s3+$0x0], $0xffff;
	v13 =	vtrunc.f32 v8;
	v17 =	vcvt.f32.s32 v17  }
0x8e: {  	v19 =	vadd.s32 $0x1, v1;
	v2 =	vtrunc.f32 v14;
	v13 =	vcvt.f32.s32 v13  }
0x8f: {  	v58 =	vld [tilespmem:s4+$0xFFFFFFF0];
	v2 =	vcvt.f32.s32 v2;
	v20 =	vadd.f32 v0, v10;
	vm0 =	vgt.s32 v17, $0x0  }
0x90: {  	v0 =	vld.idx.msk [tilespmem:v7+s3+$0x0], $0xffff;
	vm1 =	vgt.s32 v13, $0x0;
	v5 =	vsub.f32 v12, v6;
	v7 =	vnsel vm0, $0x0, v17  }
0x91: {  	v18 =	vld.idx.msk [tilespmem:v18+s3+$0x0], $0xffff;
	v10 =	vnsel vm1, $0x0, v13;
	vm0 =	vgt.s32 v2, $0x0;
	v7 =	vmin.u32 v7, $0xFFFE  }
0x92: {  	v61 =	vld [tilespmem:s4+$0x0];
	v13 =	vmin.u32 v10, $0xFFFE;
	v2 =	vnsel vm0, $0x0, v2;
	v29 =	vsub.f32 v4, v22  }
0x93: {  	v19 =	vld.idx.msk [tilespmem:v19+s3+$0x0], $0xffff;
	v15 =	vmul.f32 v15, v5;
	v23 =	vmin.u32 v2, $0xFFFE;
	v2 =	vcvt.s32.f32 v7  }
0x94: {  	v17 =	vld.idx.msk [tilespmem:v1+s3+$0x0], $0xffff;
	v10 =	vadd.s32 $0x1, v7;
	v12 =	vadd.s32 $0x1, v13;
	v59 =	vcvt.s32.f32 v13  }
0x95: {  	v60 =	vadd.s32 $0x1, v23;
	v28 =	vcvt.s32.f32 v23;
	v2 =	vsub.f32 v11, v2;
	v11 =	vld [tilespmem:s4+$0xFFFFFFE0]  }
0x96: {  	v30 =	vsub.f32 v18, v0;
	v4 =	vsub.f32 v8, v59;
	v8 =	vcvt.s32.f32 v1  }
0x97: {  	v62 =	vmul.f32 v16, v29;
	v1 =	vsub.f32 v14, v28;
	v14 =	vtrunc.f32 v3  }
0x98: {  	v14 =	vcvt.f32.s32 v14;
	v16 =	vsub.f32 v9, v8;
	v8 =	vmul.f32 $6.553500000e+04, v58  }
0x99: {  	v6 =	vadd.f32 v15, v6;
	v18 =	vsub.f32 v19, v17;
	v5 =	vld.idx.msk [tilespmem:v7+s3+$0x0], $0xffff;
	v7 =	vmul.f32 $6.553500000e+04, v61  }
0x9a: {  	v63 =	vld.idx.msk [tilespmem:v10+s3+$0x0], $0xffff;
	vm0 =	vgt.s32 v14, $0x0;
	v15 =	vtrunc.f32 v8;
	v9 =	vmul.f32 $6.553500000e+04, v11  }
0x9b: {  	s2 =	simm.s32 $0x16020;
	v13 =	vld.idx.msk [tilespmem:v13+s3+$0x0], $0xffff;
	v11 =	vmul.f32 v16, v18;
	v18 =	vtrunc.f32 v7;
	v14 =	vnsel vm0, $0x0, v14  }
0x9c: {  	[tilespmem:s2+$0x10] =	vst v20;
	v10 =	vld.idx.msk [tilespmem:v12+s3+$0x0], $0xffff;
	v20 =	vcvt.f32.s32 v15;
	v12 =	vmin.u32 v14, $0xFFFE;
	v16 =	vtrunc.f32 v9  }
0x9d: {  	v17 =	vadd.f32 v11, v17;
	v19 =	vcvt.f32.s32 v16;
	v16 =	vadd.s32 $0x1, v12  }
0x9e: {  	s0 =	simm.s32 $0x16060;
	[tilespmem:s2+$0xFFFFFFE0] =	vst v6;
	v6 =	vld.idx.msk [tilespmem:v23+s3+$0x0], $0xffff;
	v18 =	vcvt.f32.s32 v18;
	v14 =	vmul.f32 v21, v30;
	vm1 =	vgt.s32 v20, $0x0  }
0x9f: {  	s1 =	simm.s32 $0x8;
	s4 =	simm.s32 $0x120E0;
	v11 =	vld.idx.msk [tilespmem:v60+s3+$0x0], $0xffff;
	v15 =	vsub.f32 v63, v5;
	[tilespmem:s0+$0x10] =	vst v17;
	v17 =	vadd.f32 v62, v22;
	vm0 =	vgt.s32 v19, $0x0  }
.LBB2_4:
0xa0: {  	v21 =	vld [tilespmem:s4+$0x10];
	s1 =	sadd.s32 $0x4, s1;
	v19 =	vnsel vm0, $0x0, v19;
	v20 =	vnsel vm1, $0x0, v20;
	vm0 =	vgt.s32 v18, $0x0;
	v22 =	vmovc v13  }
0xa1: {  	p0 =	slt.u32 s1, $0x1FC;
	v13 =	vmin.u32 v19, $0xFFFE;
	v19 =	vmin.u32 v20, $0xFFFE;
	v18 =	vnsel vm0, $0x0, v18;
	v20 =	vld.idx.msk [tilespmem:v12+s3+$0x0], $0xffff;
	[tilespmem:s2+$0xFFFFFFF0] =	vst v17  }
0xa2: {  	v17 =	vadd.s32 $0x1, v13;
	v23 =	vadd.s32 $0x1, v19;
	v18 =	vmin.u32 v18, $0xFFFE;
	v16 =	vld.idx.msk [tilespmem:v16+s3+$0x0], $0xffff  }
0xa3: {  	v25 =	vcvt.s32.f32 v13;
	v26 =	vcvt.s32.f32 v19;
	v24 =	vld [tilespmem:s4+$0xFFFFFFF0];
	v27 =	vadd.s32 $0x1, v18  }
0xa4: {  	v30 =	vsub.f32 v11, v6;
	v10 =	vsub.f32 v10, v22;
	v29 =	vcvt.s32.f32 v18;
	v28 =	vld [tilespmem:s4+$0x0]  }
0xa5: {  	v9 =	vsub.f32 v9, v25;
	v31 =	vld [tilespmem:s4+$0xFFFFFFE0];
	v11 =	vmul.f32 $6.553500000e+04, v21;
	v21 =	vsub.f32 v8, v26  }
0xa6: {  	v26 =	vsub.f32 v7, v29;
	v7 =	vcvt.s32.f32 v12;
	v12 =	vmul.f32 v2, v15;
	v25 =	vld.idx.msk [tilespmem:v13+s3+$0x0], $0xffff  }
0xa7: {  	v29 =	vadd.f32 v14, v0;
	v2 =	vmovc v9;
	v8 =	vtrunc.f32 v11;
	v15 =	vld.idx.msk [tilespmem:v17+s3+$0x0], $0xffff;
	v17 =	vmul.f32 v4, v10  }
0xa8: {  	v16 =	vsub.f32 v16, v20;
	v14 =	vcvt.f32.s32 v8;
	v10 =	vld.idx.msk [tilespmem:v23+s3+$0x0], $0xffff;
	v23 =	vsub.f32 v3, v7;
	v3 =	vmovc v11  }
0xa9: {  	v4 =	vmovc v21;
	v8 =	vmul.f32 $6.553500000e+04, v24;
	v7 =	vmul.f32 $6.553500000e+04, v28;
	v11 =	vld.idx.msk [tilespmem:v27+s3+$0x0], $0xffff;
	v27 =	vadd.f32 v12, v5;
	[tilespmem:s2+$0x0] =	vst v29;
	s2 =	smov.u32 s0  }
0xaa: {  	v0 =	vmovc v6;
	v9 =	vmul.f32 $6.553500000e+04, v31;
	vm0 =	vgt.s32 v14, $0x0;
	v13 =	vld.idx.msk [tilespmem:v19+s3+$0x0], $0xffff;
	v16 =	vmul.f32 v23, v16  }
.Ltmp1:
0xab: {  	v21 =	vtrunc.f32 v8;
	v23 =	vtrunc.f32 v7;
	v12 =	vnsel vm0, $0x0, v14;
	v6 =	vld.idx.msk [tilespmem:v18+s3+$0x0], $0xffff;
	[tilespmem:s0+$0xFFFFFFE0] =	vst v27;
	(pc) =	sbr.rel @p0 .LBB2_4-.Ltmp1, $4  }
0xac: {  	v5 =	vmovc v25;
	v14 =	vtrunc.f32 v9;
	v12 =	vmin.u32 v12, $0xFFFE;
	v24 =	vadd.f32 v16, v20  }
0xad: {  	s0 =	sadd.s32 $0x40, s0;
	v20 =	vcvt.f32.s32 v21;
	v19 =	vcvt.f32.s32 v14;
	v16 =	vadd.s32 $0x1, v12  }
0xae: {  	v18 =	vcvt.f32.s32 v23;
	v15 =	vsub.f32 v15, v5;
	v14 =	vmul.f32 v1, v30;
	v1 =	vmovc v26;
	[tilespmem:s0+$0x10] =	vst v24  }
0xaf: {  	s4 =	sadd.s32 $0x40, s4;
	v17 =	vadd.f32 v17, v22;
	vm1 =	vgt.s32 v20, $0x0;
	vm0 =	vgt.s32 v19, $0x0  }
0xb0: {  	v19 =	vnsel vm0, $0x0, v19  }
0xb1: {  	v20 =	vnsel vm1, $0x0, v20;
	v19 =	vmin.u32 v19, $0xFFFE  }
0xb2: {  	v20 =	vmin.u32 v20, $0xFFFE  }
0xb3: {  	vm0 =	vgt.s32 v18, $0x0;
	v21 =	vadd.s32 $0x1, v19  }
0xb4: {  	v23 =	vld.idx.msk [tilespmem:v12+s3+$0x0], $0xffff;
	v18 =	vnsel vm0, $0x0, v18;
	v22 =	vadd.s32 $0x1, v20  }
0xb5: {  	v16 =	vld.idx.msk [tilespmem:v16+s3+$0x0], $0xffff;
	v18 =	vmin.u32 v18, $0xFFFE  }
0xb6: {  	v24 =	vadd.s32 $0x1, v18;
	v25 =	vld.idx.msk [tilespmem:v19+s3+$0x0], $0xffff  }
0xb7: {  	v26 =	vcvt.s32.f32 v20;
	v20 =	vld.idx.msk [tilespmem:v20+s3+$0x0], $0xffff  }
0xb8: {  	v12 =	vcvt.s32.f32 v12;
	v21 =	vld.idx.msk [tilespmem:v21+s3+$0x0], $0xffff  }
0xb9: {  	v10 =	vsub.f32 v10, v13;
	v2 =	vmul.f32 v2, v15;
	v22 =	vld.idx.msk [tilespmem:v22+s3+$0x0], $0xffff  }
0xba: {  	v3 =	vsub.f32 v3, v12;
	v12 =	vsub.f32 v16, v23;
	v16 =	vld.idx.msk [tilespmem:v18+s3+$0x0], $0xffff  }
0xbb: {  	v4 =	vmul.f32 v4, v10;
	v2 =	vadd.f32 v2, v5;
	v24 =	vld.idx.msk [tilespmem:v24+s3+$0x0], $0xffff  }
0xbc: {  	v11 =	vsub.f32 v11, v6;
	v0 =	vadd.f32 v14, v0;
	v19 =	vcvt.s32.f32 v19  }
0xbd: {  	v8 =	vsub.f32 v8, v26;
	[tilespmem:s0+$0xFFFFFFE0] =	vst v2;
	v2 =	vadd.f32 v4, v13;
	v3 =	vmul.f32 v3, v12  }
0xbe: {  	v27 =	vcvt.s32.f32 v18;
	v9 =	vsub.f32 v9, v19;
	v5 =	vsub.f32 v21, v25  }
0xbf: {  	[tilespmem:s2+$0x0] =	vst v0;
	v1 =	vmul.f32 v1, v11;
	v0 =	vadd.f32 v3, v23;
	v3 =	vsub.f32 v22, v20  }
0xc0: {  	s1 =	sadd.s32 $0x40, s0;
	[tilespmem:s2+$0xFFFFFFF0] =	vst v17;
	v7 =	vsub.f32 v7, v27;
	v4 =	vsub.f32 v24, v16;
	v5 =	vmul.f32 v9, v5  }
0xc1: {  	v1 =	vadd.f32 v1, v6;
	[tilespmem:s1+$0x10] =	vst v0;
	v0 =	vmul.f32 v8, v3  }
0xc2: {  	[tilespmem:s0+$0xFFFFFFF0] =	vst v2;
	v3 =	vmul.f32 v7, v4;
	v2 =	vadd.f32 v5, v25  }
0xc3: {  	[tilespmem:s0+$0x0] =	vst v1;
	v0 =	vadd.f32 v0, v20  }
0xc4: {  	v1 =	vadd.f32 v3, v16;
	[tilespmem:s1+$0xFFFFFFE0] =	vst v2  }
0xc5: {  	[tilespmem:s1+$0xFFFFFFF0] =	vst v0  }
0xc6: {  	[tilespmem:s1+$0x0] =	vst v1  }
0xc7: {  	[hbm4b:s8+s3] =	stream.linear.scatter [tilespmem:s28], [sflag:$0x4], $0x2000, $0x38;
	[tilespmem:$0x18000] =	vst v63  }
0xc8: {  	_ = 	snop  }
0xc9: {  	[tilespmem:s23], [sflag:$0x2] =	stream.linear.gather [hbm4b:s9+s3], $0x2000, $0x38;
	[tilespmem:$0x18000] =	vst v63  }
0xca: {  	_ =	swait.ge [sflag:s24], $0x2000  }
0xcb: {  	[sflag:s24] =	ssyncset.done $0x0  }
0xcc: {  	[sflag:s24] =	ssyncadd.s32 $0xFFFFE000  }
0xcd: {  	_ =	swait.ge [sflag:s29], $0x2000  }
0xce: {  	[sflag:s29] =	ssyncset.done $0x0  }
0xcf: {  	s1 =	simm.s32 $0x10020;
	[sflag:s29] =	ssyncadd.s32 $0xFFFFE000  }
0xd0: {  	v0 =	vld [tilespmem:s1+$0x10];
	_ =	sdelay $0x1  }
0xd1: {  	v3 =	vld [tilespmem:s1+$0xFFFFFFE0];
	_ =	sdelay $0x1  }
0xd2: {  	v2 =	vld [tilespmem:s1+$0x0]  }
0xd3: {  	v0 =	vmul.f32 $6.553500000e+04, v0  }
0xd4: {  	v1 =	vld [tilespmem:s1+$0xFFFFFFF0]  }
0xd5: {  	v3 =	vmul.f32 $6.553500000e+04, v3;
	v4 =	vtrunc.f32 v0  }
0xd6: {  	v4 =	vcvt.f32.s32 v4  }
0xd7: {  	v2 =	vmul.f32 $6.553500000e+04, v2;
	v8 =	vtrunc.f32 v3  }
0xd8: {  	v8 =	vcvt.f32.s32 v8;
	vm0 =	vgt.s32 v4, $0x0  }
0xd9: {  	v1 =	vmul.f32 $6.553500000e+04, v1;
	v7 =	vtrunc.f32 v2;
	v4 =	vnsel vm0, $0x0, v4  }
0xda: {  	s2 =	simm.s32 $0x10060;
	v7 =	vcvt.f32.s32 v7;
	vm0 =	vgt.s32 v8, $0x0;
	v4 =	vmin.u32 v4, $0xFFFE  }
0xdb: {  	v9 =	vld [tilespmem:s2+$0x10];
	v8 =	vnsel vm0, $0x0, v8;
	v6 =	vadd.s32 $0x1, v4  }
0xdc: {  	v11 =	vld [tilespmem:s2+$0xFFFFFFF0];
	v5 =	vtrunc.f32 v1;
	vm0 =	vgt.s32 v7, $0x0;
	v8 =	vmin.u32 v8, $0xFFFE  }
0xdd: {  	v14 =	vld [tilespmem:s2+$0xFFFFFFE0];
	v5 =	vcvt.f32.s32 v5;
	v7 =	vnsel vm0, $0x0, v7;
	v15 =	vcvt.s32.f32 v8  }
0xde: {  	v17 =	vld [tilespmem:s2+$0x0];
	v7 =	vmin.u32 v7, $0xFFFE  }
0xdf: {  	vm1 =	vgt.s32 v5, $0x0;
	v15 =	vsub.f32 v3, v15;
	v3 =	vcvt.s32.f32 v7;
	v10 =	vld.idx.msk [tilespmem:v4+s3+$0x0], $0xffff  }
0xe0: {  	s4 =	simm.s32 $0x100A0;
	v9 =	vmul.f32 $6.553500000e+04, v9;
	v5 =	vnsel vm1, $0x0, v5;
	v6 =	vld.idx.msk [tilespmem:v6+s3+$0x0], $0xffff  }
0xe1: {  	v5 =	vmin.u32 v5, $0xFFFE;
	v12 =	vadd.s32 $0x1, v8;
	v21 =	vsub.f32 v2, v3;
	v3 =	vld [tilespmem:s4+$0x10]  }
0xe2: {  	v16 =	vcvt.s32.f32 v5;
	v4 =	vcvt.s32.f32 v4  }
0xe3: {  	v19 =	vtrunc.f32 v9;
	v13 =	vadd.s32 $0x1, v5;
	v18 =	vadd.s32 $0x1, v7  }
0xe4: {  	v16 =	vsub.f32 v1, v16;
	v1 =	vcvt.f32.s32 v19;
	v0 =	vsub.f32 v0, v4  }
0xe5: {  	v4 =	vsub.f32 v6, v10;
	v6 =	vld.idx.msk [tilespmem:v8+s3+$0x0], $0xffff;
	v8 =	vmul.f32 $6.553500000e+04, v11;
	v11 =	vmul.f32 $6.553500000e+04, v14  }
0xe6: {  	vm0 =	vgt.s32 v1, $0x0;
	v12 =	vld.idx.msk [tilespmem:v12+s3+$0x0], $0xffff;
	v14 =	vmul.f32 $6.553500000e+04, v17;
	v3 =	vmul.f32 $6.553500000e+04, v3  }
0xe7: {  	v22 =	vld.idx.msk [tilespmem:v5+s3+$0x0], $0xffff;
	v1 =	vnsel vm0, $0x0, v1;
	v0 =	vmul.f32 v0, v4;
	v17 =	vtrunc.f32 v11  }
0xe8: {  	v1 =	vmin.u32 v1, $0xFFFE;
	v4 =	vld.idx.msk [tilespmem:v13+s3+$0x0], $0xffff;
	v13 =	vtrunc.f32 v8;
	v17 =	vcvt.f32.s32 v17  }
0xe9: {  	v19 =	vadd.s32 $0x1, v1;
	v2 =	vtrunc.f32 v14;
	v13 =	vcvt.f32.s32 v13  }
0xea: {  	v58 =	vld [tilespmem:s4+$0xFFFFFFF0];
	v2 =	vcvt.f32.s32 v2;
	v20 =	vadd.f32 v0, v10;
	vm0 =	vgt.s32 v17, $0x0  }
0xeb: {  	v0 =	vld.idx.msk [tilespmem:v7+s3+$0x0], $0xffff;
	vm1 =	vgt.s32 v13, $0x0;
	v5 =	vsub.f32 v12, v6;
	v7 =	vnsel vm0, $0x0, v17  }
0xec: {  	v18 =	vld.idx.msk [tilespmem:v18+s3+$0x0], $0xffff;
	v10 =	vnsel vm1, $0x0, v13;
	vm0 =	vgt.s32 v2, $0x0;
	v7 =	vmin.u32 v7, $0xFFFE  }
0xed: {  	v61 =	vld [tilespmem:s4+$0x0];
	v13 =	vmin.u32 v10, $0xFFFE;
	v2 =	vnsel vm0, $0x0, v2;
	v29 =	vsub.f32 v4, v22  }
0xee: {  	v19 =	vld.idx.msk [tilespmem:v19+s3+$0x0], $0xffff;
	v15 =	vmul.f32 v15, v5;
	v23 =	vmin.u32 v2, $0xFFFE;
	v2 =	vcvt.s32.f32 v7  }
0xef: {  	v17 =	vld.idx.msk [tilespmem:v1+s3+$0x0], $0xffff;
	v10 =	vadd.s32 $0x1, v7;
	v12 =	vadd.s32 $0x1, v13;
	v59 =	vcvt.s32.f32 v13  }
0xf0: {  	v60 =	vadd.s32 $0x1, v23;
	v28 =	vcvt.s32.f32 v23;
	v2 =	vsub.f32 v11, v2;
	v11 =	vld [tilespmem:s4+$0xFFFFFFE0]  }
0xf1: {  	v30 =	vsub.f32 v18, v0;
	v4 =	vsub.f32 v8, v59;
	v8 =	vcvt.s32.f32 v1  }
0xf2: {  	v62 =	vmul.f32 v16, v29;
	v1 =	vsub.f32 v14, v28;
	v14 =	vtrunc.f32 v3  }
0xf3: {  	v14 =	vcvt.f32.s32 v14;
	v16 =	vsub.f32 v9, v8;
	v8 =	vmul.f32 $6.553500000e+04, v58  }
0xf4: {  	v6 =	vadd.f32 v15, v6;
	v18 =	vsub.f32 v19, v17;
	v5 =	vld.idx.msk [tilespmem:v7+s3+$0x0], $0xffff;
	v7 =	vmul.f32 $6.553500000e+04, v61  }
0xf5: {  	v63 =	vld.idx.msk [tilespmem:v10+s3+$0x0], $0xffff;
	vm0 =	vgt.s32 v14, $0x0;
	v15 =	vtrunc.f32 v8;
	v9 =	vmul.f32 $6.553500000e+04, v11  }
0xf6: {  	s2 =	simm.s32 $0x14020;
	v13 =	vld.idx.msk [tilespmem:v13+s3+$0x0], $0xffff;
	v11 =	vmul.f32 v16, v18;
	v18 =	vtrunc.f32 v7;
	v14 =	vnsel vm0, $0x0, v14  }
0xf7: {  	[tilespmem:s2+$0x10] =	vst v20;
	v10 =	vld.idx.msk [tilespmem:v12+s3+$0x0], $0xffff;
	v20 =	vcvt.f32.s32 v15;
	v12 =	vmin.u32 v14, $0xFFFE;
	v16 =	vtrunc.f32 v9  }
0xf8: {  	v17 =	vadd.f32 v11, v17;
	v19 =	vcvt.f32.s32 v16;
	v16 =	vadd.s32 $0x1, v12  }
0xf9: {  	s0 =	simm.s32 $0x14060;
	[tilespmem:s2+$0xFFFFFFE0] =	vst v6;
	v6 =	vld.idx.msk [tilespmem:v23+s3+$0x0], $0xffff;
	v18 =	vcvt.f32.s32 v18;
	v14 =	vmul.f32 v21, v30;
	vm1 =	vgt.s32 v20, $0x0  }
0xfa: {  	s1 =	simm.s32 $0x8;
	s4 =	simm.s32 $0x100E0;
	v11 =	vld.idx.msk [tilespmem:v60+s3+$0x0], $0xffff;
	v15 =	vsub.f32 v63, v5;
	[tilespmem:s0+$0x10] =	vst v17;
	v17 =	vadd.f32 v62, v22;
	vm0 =	vgt.s32 v19, $0x0  }
.LBB2_6:
0xfb: {  	v21 =	vld [tilespmem:s4+$0x10];
	s1 =	sadd.s32 $0x4, s1;
	v19 =	vnsel vm0, $0x0, v19;
	v20 =	vnsel vm1, $0x0, v20;
	vm0 =	vgt.s32 v18, $0x0;
	v22 =	vmovc v13  }
0xfc: {  	p0 =	slt.u32 s1, $0x1FC;
	v13 =	vmin.u32 v19, $0xFFFE;
	v19 =	vmin.u32 v20, $0xFFFE;
	v18 =	vnsel vm0, $0x0, v18;
	v20 =	vld.idx.msk [tilespmem:v12+s3+$0x0], $0xffff;
	[tilespmem:s2+$0xFFFFFFF0] =	vst v17  }
0xfd: {  	v17 =	vadd.s32 $0x1, v13;
	v23 =	vadd.s32 $0x1, v19;
	v18 =	vmin.u32 v18, $0xFFFE;
	v16 =	vld.idx.msk [tilespmem:v16+s3+$0x0], $0xffff  }
0xfe: {  	v25 =	vcvt.s32.f32 v13;
	v26 =	vcvt.s32.f32 v19;
	v24 =	vld [tilespmem:s4+$0xFFFFFFF0];
	v27 =	vadd.s32 $0x1, v18  }
0xff: {  	v30 =	vsub.f32 v11, v6;
	v10 =	vsub.f32 v10, v22;
	v29 =	vcvt.s32.f32 v18;
	v28 =	vld [tilespmem:s4+$0x0]  }
0x100: {  	v9 =	vsub.f32 v9, v25;
	v31 =	vld [tilespmem:s4+$0xFFFFFFE0];
	v11 =	vmul.f32 $6.553500000e+04, v21;
	v21 =	vsub.f32 v8, v26  }
0x101: {  	v26 =	vsub.f32 v7, v29;
	v7 =	vcvt.s32.f32 v12;
	v12 =	vmul.f32 v2, v15;
	v25 =	vld.idx.msk [tilespmem:v13+s3+$0x0], $0xffff  }
0x102: {  	v29 =	vadd.f32 v14, v0;
	v2 =	vmovc v9;
	v8 =	vtrunc.f32 v11;
	v15 =	vld.idx.msk [tilespmem:v17+s3+$0x0], $0xffff;
	v17 =	vmul.f32 v4, v10  }
0x103: {  	v16 =	vsub.f32 v16, v20;
	v14 =	vcvt.f32.s32 v8;
	v10 =	vld.idx.msk [tilespmem:v23+s3+$0x0], $0xffff;
	v23 =	vsub.f32 v3, v7;
	v3 =	vmovc v11  }
0x104: {  	v4 =	vmovc v21;
	v8 =	vmul.f32 $6.553500000e+04, v24;
	v7 =	vmul.f32 $6.553500000e+04, v28;
	v11 =	vld.idx.msk [tilespmem:v27+s3+$0x0], $0xffff;
	v27 =	vadd.f32 v12, v5;
	[tilespmem:s2+$0x0] =	vst v29;
	s2 =	smov.u32 s0  }
0x105: {  	v0 =	vmovc v6;
	v9 =	vmul.f32 $6.553500000e+04, v31;
	vm0 =	vgt.s32 v14, $0x0;
	v13 =	vld.idx.msk [tilespmem:v19+s3+$0x0], $0xffff;
	v16 =	vmul.f32 v23, v16  }
.Ltmp2:
0x106: {  	v21 =	vtrunc.f32 v8;
	v23 =	vtrunc.f32 v7;
	v12 =	vnsel vm0, $0x0, v14;
	v6 =	vld.idx.msk [tilespmem:v18+s3+$0x0], $0xffff;
	[tilespmem:s0+$0xFFFFFFE0] =	vst v27;
	(pc) =	sbr.rel @p0 .LBB2_6-.Ltmp2, $4  }
0x107: {  	v5 =	vmovc v25;
	v14 =	vtrunc.f32 v9;
	v12 =	vmin.u32 v12, $0xFFFE;
	v24 =	vadd.f32 v16, v20  }
0x108: {  	s0 =	sadd.s32 $0x40, s0;
	v20 =	vcvt.f32.s32 v21;
	v19 =	vcvt.f32.s32 v14;
	v16 =	vadd.s32 $0x1, v12  }
0x109: {  	v18 =	vcvt.f32.s32 v23;
	v15 =	vsub.f32 v15, v5;
	v14 =	vmul.f32 v1, v30;
	v1 =	vmovc v26;
	[tilespmem:s0+$0x10] =	vst v24  }
0x10a: {  	s4 =	sadd.s32 $0x40, s4;
	v17 =	vadd.f32 v17, v22;
	vm1 =	vgt.s32 v20, $0x0;
	vm0 =	vgt.s32 v19, $0x0  }
0x10b: {  	v19 =	vnsel vm0, $0x0, v19  }
0x10c: {  	v20 =	vnsel vm1, $0x0, v20;
	v19 =	vmin.u32 v19, $0xFFFE  }
0x10d: {  	v20 =	vmin.u32 v20, $0xFFFE  }
0x10e: {  	vm0 =	vgt.s32 v18, $0x0;
	v21 =	vadd.s32 $0x1, v19  }
0x10f: {  	v23 =	vld.idx.msk [tilespmem:v12+s3+$0x0], $0xffff;
	v18 =	vnsel vm0, $0x0, v18;
	v22 =	vadd.s32 $0x1, v20  }
0x110: {  	v16 =	vld.idx.msk [tilespmem:v16+s3+$0x0], $0xffff;
	v18 =	vmin.u32 v18, $0xFFFE  }
0x111: {  	v24 =	vadd.s32 $0x1, v18;
	v25 =	vld.idx.msk [tilespmem:v19+s3+$0x0], $0xffff  }
0x112: {  	v26 =	vcvt.s32.f32 v20;
	v20 =	vld.idx.msk [tilespmem:v20+s3+$0x0], $0xffff  }
0x113: {  	v12 =	vcvt.s32.f32 v12;
	v21 =	vld.idx.msk [tilespmem:v21+s3+$0x0], $0xffff  }
0x114: {  	v10 =	vsub.f32 v10, v13;
	v2 =	vmul.f32 v2, v15;
	v22 =	vld.idx.msk [tilespmem:v22+s3+$0x0], $0xffff  }
0x115: {  	v3 =	vsub.f32 v3, v12;
	v12 =	vsub.f32 v16, v23;
	v16 =	vld.idx.msk [tilespmem:v18+s3+$0x0], $0xffff  }
0x116: {  	v4 =	vmul.f32 v4, v10;
	v2 =	vadd.f32 v2, v5;
	v24 =	vld.idx.msk [tilespmem:v24+s3+$0x0], $0xffff  }
0x117: {  	v11 =	vsub.f32 v11, v6;
	v0 =	vadd.f32 v14, v0;
	v19 =	vcvt.s32.f32 v19  }
0x118: {  	v8 =	vsub.f32 v8, v26;
	[tilespmem:s0+$0xFFFFFFE0] =	vst v2;
	v2 =	vadd.f32 v4, v13;
	v3 =	vmul.f32 v3, v12  }
0x119: {  	v27 =	vcvt.s32.f32 v18;
	v9 =	vsub.f32 v9, v19;
	v5 =	vsub.f32 v21, v25  }
0x11a: {  	[tilespmem:s2+$0x0] =	vst v0;
	v1 =	vmul.f32 v1, v11;
	v0 =	vadd.f32 v3, v23;
	v3 =	vsub.f32 v22, v20  }
0x11b: {  	s1 =	sadd.s32 $0x40, s0;
	[tilespmem:s2+$0xFFFFFFF0] =	vst v17;
	v7 =	vsub.f32 v7, v27;
	v4 =	vsub.f32 v24, v16;
	v5 =	vmul.f32 v9, v5  }
0x11c: {  	v1 =	vadd.f32 v1, v6;
	[tilespmem:s1+$0x10] =	vst v0;
	v0 =	vmul.f32 v8, v3  }
0x11d: {  	[tilespmem:s0+$0xFFFFFFF0] =	vst v2;
	v3 =	vmul.f32 v7, v4;
	v2 =	vadd.f32 v5, v25  }
0x11e: {  	[tilespmem:s0+$0x0] =	vst v1;
	v0 =	vadd.f32 v0, v20  }
0x11f: {  	v1 =	vadd.f32 v3, v16;
	[tilespmem:s1+$0xFFFFFFE0] =	vst v2  }
0x120: {  	[tilespmem:s1+$0xFFFFFFF0] =	vst v0  }
0x121: {  	[tilespmem:s1+$0x0] =	vst v1  }
0x122: {  	[hbm4b:s10+s3] =	stream.linear.scatter [tilespmem:s25], [sflag:$0x3], $0x2000, $0x38;
	[tilespmem:$0x18000] =	vst v63  }
0x123: {  	_ = 	snop  }
0x124: {  	[tilespmem:s21], [sflag:$0x1] =	stream.linear.gather [hbm4b:s11+s3], $0x2000, $0x38;
	[tilespmem:$0x18000] =	vst v63  }
0x125: {  	_ =	swait.ge [sflag:s26], $0x2000  }
0x126: {  	[sflag:s26] =	ssyncset.done $0x0  }
0x127: {  	[sflag:s26] =	ssyncadd.s32 $0xFFFFE000  }
0x128: {  	_ =	swait.ge [sflag:s30], $0x2000  }
0x129: {  	[sflag:s30] =	ssyncset.done $0x0  }
0x12a: {  	s1 =	simm.s32 $0x12020;
	[sflag:s30] =	ssyncadd.s32 $0xFFFFE000  }
0x12b: {  	v0 =	vld [tilespmem:s1+$0x10];
	_ =	sdelay $0x1  }
0x12c: {  	v3 =	vld [tilespmem:s1+$0xFFFFFFE0];
	_ =	sdelay $0x1  }
0x12d: {  	v2 =	vld [tilespmem:s1+$0x0]  }
0x12e: {  	v0 =	vmul.f32 $6.553500000e+04, v0  }
0x12f: {  	v1 =	vld [tilespmem:s1+$0xFFFFFFF0]  }
0x130: {  	v3 =	vmul.f32 $6.553500000e+04, v3;
	v4 =	vtrunc.f32 v0  }
0x131: {  	v4 =	vcvt.f32.s32 v4  }
0x132: {  	v2 =	vmul.f32 $6.553500000e+04, v2;
	v8 =	vtrunc.f32 v3  }
0x133: {  	v8 =	vcvt.f32.s32 v8;
	vm0 =	vgt.s32 v4, $0x0  }
0x134: {  	v1 =	vmul.f32 $6.553500000e+04, v1;
	v7 =	vtrunc.f32 v2;
	v4 =	vnsel vm0, $0x0, v4  }
0x135: {  	s2 =	simm.s32 $0x12060;
	v7 =	vcvt.f32.s32 v7;
	vm0 =	vgt.s32 v8, $0x0;
	v4 =	vmin.u32 v4, $0xFFFE  }
0x136: {  	v9 =	vld [tilespmem:s2+$0x10];
	v8 =	vnsel vm0, $0x0, v8;
	v6 =	vadd.s32 $0x1, v4  }
0x137: {  	v11 =	vld [tilespmem:s2+$0xFFFFFFF0];
	v5 =	vtrunc.f32 v1;
	vm0 =	vgt.s32 v7, $0x0;
	v8 =	vmin.u32 v8, $0xFFFE  }
0x138: {  	v14 =	vld [tilespmem:s2+$0xFFFFFFE0];
	v5 =	vcvt.f32.s32 v5;
	v7 =	vnsel vm0, $0x0, v7;
	v15 =	vcvt.s32.f32 v8  }
0x139: {  	v17 =	vld [tilespmem:s2+$0x0];
	v7 =	vmin.u32 v7, $0xFFFE  }
0x13a: {  	vm1 =	vgt.s32 v5, $0x0;
	v15 =	vsub.f32 v3, v15;
	v3 =	vcvt.s32.f32 v7;
	v10 =	vld.idx.msk [tilespmem:v4+s3+$0x0], $0xffff  }
0x13b: {  	s4 =	simm.s32 $0x120A0;
	v9 =	vmul.f32 $6.553500000e+04, v9;
	v5 =	vnsel vm1, $0x0, v5;
	v6 =	vld.idx.msk [tilespmem:v6+s3+$0x0], $0xffff  }
0x13c: {  	v5 =	vmin.u32 v5, $0xFFFE;
	v12 =	vadd.s32 $0x1, v8;
	v21 =	vsub.f32 v2, v3;
	v3 =	vld [tilespmem:s4+$0x10]  }
0x13d: {  	v16 =	vcvt.s32.f32 v5;
	v4 =	vcvt.s32.f32 v4  }
0x13e: {  	v19 =	vtrunc.f32 v9;
	v13 =	vadd.s32 $0x1, v5;
	v18 =	vadd.s32 $0x1, v7  }
0x13f: {  	v16 =	vsub.f32 v1, v16;
	v1 =	vcvt.f32.s32 v19;
	v0 =	vsub.f32 v0, v4  }
0x140: {  	v4 =	vsub.f32 v6, v10;
	v6 =	vld.idx.msk [tilespmem:v8+s3+$0x0], $0xffff;
	v8 =	vmul.f32 $6.553500000e+04, v11;
	v11 =	vmul.f32 $6.553500000e+04, v14  }
0x141: {  	vm0 =	vgt.s32 v1, $0x0;
	v12 =	vld.idx.msk [tilespmem:v12+s3+$0x0], $0xffff;
	v14 =	vmul.f32 $6.553500000e+04, v17;
	v3 =	vmul.f32 $6.553500000e+04, v3  }
0x142: {  	v22 =	vld.idx.msk [tilespmem:v5+s3+$0x0], $0xffff;
	v1 =	vnsel vm0, $0x0, v1;
	v0 =	vmul.f32 v0, v4;
	v17 =	vtrunc.f32 v11  }
0x143: {  	v1 =	vmin.u32 v1, $0xFFFE;
	v4 =	vld.idx.msk [tilespmem:v13+s3+$0x0], $0xffff;
	v13 =	vtrunc.f32 v8;
	v17 =	vcvt.f32.s32 v17  }
0x144: {  	v19 =	vadd.s32 $0x1, v1;
	v2 =	vtrunc.f32 v14;
	v13 =	vcvt.f32.s32 v13  }
0x145: {  	v58 =	vld [tilespmem:s4+$0xFFFFFFF0];
	v2 =	vcvt.f32.s32 v2;
	v20 =	vadd.f32 v0, v10;
	vm0 =	vgt.s32 v17, $0x0  }
0x146: {  	v0 =	vld.idx.msk [tilespmem:v7+s3+$0x0], $0xffff;
	vm1 =	vgt.s32 v13, $0x0;
	v5 =	vsub.f32 v12, v6;
	v7 =	vnsel vm0, $0x0, v17  }
0x147: {  	v18 =	vld.idx.msk [tilespmem:v18+s3+$0x0], $0xffff;
	v10 =	vnsel vm1, $0x0, v13;
	vm0 =	vgt.s32 v2, $0x0;
	v7 =	vmin.u32 v7, $0xFFFE  }
0x148: {  	v61 =	vld [tilespmem:s4+$0x0];
	v13 =	vmin.u32 v10, $0xFFFE;
	v2 =	vnsel vm0, $0x0, v2;
	v29 =	vsub.f32 v4, v22  }
0x149: {  	v19 =	vld.idx.msk [tilespmem:v19+s3+$0x0], $0xffff;
	v15 =	vmul.f32 v15, v5;
	v23 =	vmin.u32 v2, $0xFFFE;
	v2 =	vcvt.s32.f32 v7  }
0x14a: {  	v17 =	vld.idx.msk [tilespmem:v1+s3+$0x0], $0xffff;
	v10 =	vadd.s32 $0x1, v7;
	v12 =	vadd.s32 $0x1, v13;
	v59 =	vcvt.s32.f32 v13  }
0x14b: {  	v60 =	vadd.s32 $0x1, v23;
	v28 =	vcvt.s32.f32 v23;
	v2 =	vsub.f32 v11, v2;
	v11 =	vld [tilespmem:s4+$0xFFFFFFE0]  }
0x14c: {  	v30 =	vsub.f32 v18, v0;
	v4 =	vsub.f32 v8, v59;
	v8 =	vcvt.s32.f32 v1  }
0x14d: {  	v62 =	vmul.f32 v16, v29;
	v1 =	vsub.f32 v14, v28;
	v14 =	vtrunc.f32 v3  }
0x14e: {  	v14 =	vcvt.f32.s32 v14;
	v16 =	vsub.f32 v9, v8;
	v8 =	vmul.f32 $6.553500000e+04, v58  }
0x14f: {  	v6 =	vadd.f32 v15, v6;
	v18 =	vsub.f32 v19, v17;
	v5 =	vld.idx.msk [tilespmem:v7+s3+$0x0], $0xffff;
	v7 =	vmul.f32 $6.553500000e+04, v61  }
0x150: {  	v63 =	vld.idx.msk [tilespmem:v10+s3+$0x0], $0xffff;
	vm0 =	vgt.s32 v14, $0x0;
	v15 =	vtrunc.f32 v8;
	v9 =	vmul.f32 $6.553500000e+04, v11  }
0x151: {  	s2 =	simm.s32 $0x16020;
	v13 =	vld.idx.msk [tilespmem:v13+s3+$0x0], $0xffff;
	v11 =	vmul.f32 v16, v18;
	v18 =	vtrunc.f32 v7;
	v14 =	vnsel vm0, $0x0, v14  }
0x152: {  	[tilespmem:s2+$0x10] =	vst v20;
	v10 =	vld.idx.msk [tilespmem:v12+s3+$0x0], $0xffff;
	v20 =	vcvt.f32.s32 v15;
	v12 =	vmin.u32 v14, $0xFFFE;
	v16 =	vtrunc.f32 v9  }
0x153: {  	v17 =	vadd.f32 v11, v17;
	v19 =	vcvt.f32.s32 v16;
	v16 =	vadd.s32 $0x1, v12  }
0x154: {  	s0 =	simm.s32 $0x16060;
	[tilespmem:s2+$0xFFFFFFE0] =	vst v6;
	v6 =	vld.idx.msk [tilespmem:v23+s3+$0x0], $0xffff;
	v18 =	vcvt.f32.s32 v18;
	v14 =	vmul.f32 v21, v30;
	vm1 =	vgt.s32 v20, $0x0  }
0x155: {  	s1 =	simm.s32 $0x8;
	s4 =	simm.s32 $0x120E0;
	v11 =	vld.idx.msk [tilespmem:v60+s3+$0x0], $0xffff;
	v15 =	vsub.f32 v63, v5;
	[tilespmem:s0+$0x10] =	vst v17;
	v17 =	vadd.f32 v62, v22;
	vm0 =	vgt.s32 v19, $0x0  }
.LBB2_8:
0x156: {  	v21 =	vld [tilespmem:s4+$0x10];
	s1 =	sadd.s32 $0x4, s1;
	v19 =	vnsel vm0, $0x0, v19;
	v20 =	vnsel vm1, $0x0, v20;
	vm0 =	vgt.s32 v18, $0x0;
	v22 =	vmovc v13  }
0x157: {  	p0 =	slt.u32 s1, $0x1FC;
	v13 =	vmin.u32 v19, $0xFFFE;
	v19 =	vmin.u32 v20, $0xFFFE;
	v18 =	vnsel vm0, $0x0, v18;
	v20 =	vld.idx.msk [tilespmem:v12+s3+$0x0], $0xffff;
	[tilespmem:s2+$0xFFFFFFF0] =	vst v17  }
0x158: {  	v17 =	vadd.s32 $0x1, v13;
	v23 =	vadd.s32 $0x1, v19;
	v18 =	vmin.u32 v18, $0xFFFE;
	v16 =	vld.idx.msk [tilespmem:v16+s3+$0x0], $0xffff  }
0x159: {  	v25 =	vcvt.s32.f32 v13;
	v26 =	vcvt.s32.f32 v19;
	v24 =	vld [tilespmem:s4+$0xFFFFFFF0];
	v27 =	vadd.s32 $0x1, v18  }
0x15a: {  	v30 =	vsub.f32 v11, v6;
	v10 =	vsub.f32 v10, v22;
	v29 =	vcvt.s32.f32 v18;
	v28 =	vld [tilespmem:s4+$0x0]  }
0x15b: {  	v9 =	vsub.f32 v9, v25;
	v31 =	vld [tilespmem:s4+$0xFFFFFFE0];
	v11 =	vmul.f32 $6.553500000e+04, v21;
	v21 =	vsub.f32 v8, v26  }
0x15c: {  	v26 =	vsub.f32 v7, v29;
	v7 =	vcvt.s32.f32 v12;
	v12 =	vmul.f32 v2, v15;
	v25 =	vld.idx.msk [tilespmem:v13+s3+$0x0], $0xffff  }
0x15d: {  	v29 =	vadd.f32 v14, v0;
	v2 =	vmovc v9;
	v8 =	vtrunc.f32 v11;
	v15 =	vld.idx.msk [tilespmem:v17+s3+$0x0], $0xffff;
	v17 =	vmul.f32 v4, v10  }
0x15e: {  	v16 =	vsub.f32 v16, v20;
	v14 =	vcvt.f32.s32 v8;
	v10 =	vld.idx.msk [tilespmem:v23+s3+$0x0], $0xffff;
	v23 =	vsub.f32 v3, v7;
	v3 =	vmovc v11  }
0x15f: {  	v4 =	vmovc v21;
	v8 =	vmul.f32 $6.553500000e+04, v24;
	v7 =	vmul.f32 $6.553500000e+04, v28;
	v11 =	vld.idx.msk [tilespmem:v27+s3+$0x0], $0xffff;
	v27 =	vadd.f32 v12, v5;
	[tilespmem:s2+$0x0] =	vst v29;
	s2 =	smov.u32 s0  }
0x160: {  	v0 =	vmovc v6;
	v9 =	vmul.f32 $6.553500000e+04, v31;
	vm0 =	vgt.s32 v14, $0x0;
	v13 =	vld.idx.msk [tilespmem:v19+s3+$0x0], $0xffff;
	v16 =	vmul.f32 v23, v16  }
.Ltmp3:
0x161: {  	v21 =	vtrunc.f32 v8;
	v23 =	vtrunc.f32 v7;
	v12 =	vnsel vm0, $0x0, v14;
	v6 =	vld.idx.msk [tilespmem:v18+s3+$0x0], $0xffff;
	[tilespmem:s0+$0xFFFFFFE0] =	vst v27;
	(pc) =	sbr.rel @p0 .LBB2_8-.Ltmp3, $4  }
0x162: {  	v5 =	vmovc v25;
	v14 =	vtrunc.f32 v9;
	v12 =	vmin.u32 v12, $0xFFFE;
	v24 =	vadd.f32 v16, v20  }
0x163: {  	s0 =	sadd.s32 $0x40, s0;
	v20 =	vcvt.f32.s32 v21;
	v19 =	vcvt.f32.s32 v14;
	v16 =	vadd.s32 $0x1, v12  }
0x164: {  	v18 =	vcvt.f32.s32 v23;
	v15 =	vsub.f32 v15, v5;
	v14 =	vmul.f32 v1, v30;
	v1 =	vmovc v26;
	[tilespmem:s0+$0x10] =	vst v24  }
0x165: {  	s4 =	sadd.s32 $0x40, s4;
	v17 =	vadd.f32 v17, v22;
	vm1 =	vgt.s32 v20, $0x0;
	vm0 =	vgt.s32 v19, $0x0  }
0x166: {  	v19 =	vnsel vm0, $0x0, v19  }
0x167: {  	v20 =	vnsel vm1, $0x0, v20;
	v19 =	vmin.u32 v19, $0xFFFE  }
0x168: {  	v20 =	vmin.u32 v20, $0xFFFE  }
0x169: {  	vm0 =	vgt.s32 v18, $0x0;
	v21 =	vadd.s32 $0x1, v19  }
0x16a: {  	v23 =	vld.idx.msk [tilespmem:v12+s3+$0x0], $0xffff;
	v18 =	vnsel vm0, $0x0, v18;
	v22 =	vadd.s32 $0x1, v20  }
0x16b: {  	v16 =	vld.idx.msk [tilespmem:v16+s3+$0x0], $0xffff;
	v18 =	vmin.u32 v18, $0xFFFE  }
0x16c: {  	v24 =	vadd.s32 $0x1, v18;
	v25 =	vld.idx.msk [tilespmem:v19+s3+$0x0], $0xffff  }
0x16d: {  	v26 =	vcvt.s32.f32 v20;
	v20 =	vld.idx.msk [tilespmem:v20+s3+$0x0], $0xffff  }
0x16e: {  	v12 =	vcvt.s32.f32 v12;
	v21 =	vld.idx.msk [tilespmem:v21+s3+$0x0], $0xffff  }
0x16f: {  	v10 =	vsub.f32 v10, v13;
	v2 =	vmul.f32 v2, v15;
	v22 =	vld.idx.msk [tilespmem:v22+s3+$0x0], $0xffff  }
0x170: {  	v3 =	vsub.f32 v3, v12;
	v12 =	vsub.f32 v16, v23;
	v16 =	vld.idx.msk [tilespmem:v18+s3+$0x0], $0xffff  }
0x171: {  	v4 =	vmul.f32 v4, v10;
	v2 =	vadd.f32 v2, v5;
	v24 =	vld.idx.msk [tilespmem:v24+s3+$0x0], $0xffff  }
0x172: {  	v11 =	vsub.f32 v11, v6;
	v0 =	vadd.f32 v14, v0;
	v19 =	vcvt.s32.f32 v19  }
0x173: {  	v8 =	vsub.f32 v8, v26;
	[tilespmem:s0+$0xFFFFFFE0] =	vst v2;
	v2 =	vadd.f32 v4, v13;
	v3 =	vmul.f32 v3, v12  }
0x174: {  	v27 =	vcvt.s32.f32 v18;
	v9 =	vsub.f32 v9, v19;
	v5 =	vsub.f32 v21, v25  }
0x175: {  	[tilespmem:s2+$0x0] =	vst v0;
	v1 =	vmul.f32 v1, v11;
	v0 =	vadd.f32 v3, v23;
	v3 =	vsub.f32 v22, v20  }
0x176: {  	s1 =	sadd.s32 $0x40, s0;
	[tilespmem:s2+$0xFFFFFFF0] =	vst v17;
	v7 =	vsub.f32 v7, v27;
	v4 =	vsub.f32 v24, v16;
	v5 =	vmul.f32 v9, v5  }
0x177: {  	v1 =	vadd.f32 v1, v6;
	[tilespmem:s1+$0x10] =	vst v0;
	v0 =	vmul.f32 v8, v3  }
0x178: {  	[tilespmem:s0+$0xFFFFFFF0] =	vst v2;
	v3 =	vmul.f32 v7, v4;
	v2 =	vadd.f32 v5, v25  }
0x179: {  	[tilespmem:s0+$0x0] =	vst v1;
	v0 =	vadd.f32 v0, v20  }
0x17a: {  	v1 =	vadd.f32 v3, v16;
	[tilespmem:s1+$0xFFFFFFE0] =	vst v2  }
0x17b: {  	[tilespmem:s1+$0xFFFFFFF0] =	vst v0  }
0x17c: {  	[tilespmem:s1+$0x0] =	vst v1  }
0x17d: {  	[hbm4b:s12+s3] =	stream.linear.scatter [tilespmem:s28], [sflag:$0x4], $0x2000, $0x38;
	[tilespmem:$0x18000] =	vst v63  }
0x17e: {  	_ = 	snop  }
0x17f: {  	[tilespmem:s23], [sflag:$0x2] =	stream.linear.gather [hbm4b:s13+s3], $0x2000, $0x38;
	[tilespmem:$0x18000] =	vst v63  }
0x180: {  	_ =	swait.ge [sflag:s24], $0x2000  }
0x181: {  	[sflag:s24] =	ssyncset.done $0x0  }
0x182: {  	[sflag:s24] =	ssyncadd.s32 $0xFFFFE000  }
0x183: {  	_ =	swait.ge [sflag:s29], $0x2000  }
0x184: {  	[sflag:s29] =	ssyncset.done $0x0  }
0x185: {  	s1 =	simm.s32 $0x10020;
	[sflag:s29] =	ssyncadd.s32 $0xFFFFE000  }
0x186: {  	v0 =	vld [tilespmem:s1+$0x10];
	_ =	sdelay $0x1  }
0x187: {  	v3 =	vld [tilespmem:s1+$0xFFFFFFE0];
	_ =	sdelay $0x1  }
0x188: {  	v2 =	vld [tilespmem:s1+$0x0]  }
0x189: {  	v0 =	vmul.f32 $6.553500000e+04, v0  }
0x18a: {  	v1 =	vld [tilespmem:s1+$0xFFFFFFF0]  }
0x18b: {  	v3 =	vmul.f32 $6.553500000e+04, v3;
	v4 =	vtrunc.f32 v0  }
0x18c: {  	v4 =	vcvt.f32.s32 v4  }
0x18d: {  	v2 =	vmul.f32 $6.553500000e+04, v2;
	v8 =	vtrunc.f32 v3  }
0x18e: {  	v8 =	vcvt.f32.s32 v8;
	vm0 =	vgt.s32 v4, $0x0  }
0x18f: {  	v1 =	vmul.f32 $6.553500000e+04, v1;
	v7 =	vtrunc.f32 v2;
	v4 =	vnsel vm0, $0x0, v4  }
0x190: {  	s2 =	simm.s32 $0x10060;
	v7 =	vcvt.f32.s32 v7;
	vm0 =	vgt.s32 v8, $0x0;
	v4 =	vmin.u32 v4, $0xFFFE  }
0x191: {  	v9 =	vld [tilespmem:s2+$0x10];
	v8 =	vnsel vm0, $0x0, v8;
	v6 =	vadd.s32 $0x1, v4  }
0x192: {  	v11 =	vld [tilespmem:s2+$0xFFFFFFF0];
	v5 =	vtrunc.f32 v1;
	vm0 =	vgt.s32 v7, $0x0;
	v8 =	vmin.u32 v8, $0xFFFE  }
0x193: {  	v14 =	vld [tilespmem:s2+$0xFFFFFFE0];
	v5 =	vcvt.f32.s32 v5;
	v7 =	vnsel vm0, $0x0, v7;
	v15 =	vcvt.s32.f32 v8  }
0x194: {  	v17 =	vld [tilespmem:s2+$0x0];
	v7 =	vmin.u32 v7, $0xFFFE  }
0x195: {  	vm1 =	vgt.s32 v5, $0x0;
	v15 =	vsub.f32 v3, v15;
	v3 =	vcvt.s32.f32 v7;
	v10 =	vld.idx.msk [tilespmem:v4+s3+$0x0], $0xffff  }
0x196: {  	s4 =	simm.s32 $0x100A0;
	v9 =	vmul.f32 $6.553500000e+04, v9;
	v5 =	vnsel vm1, $0x0, v5;
	v6 =	vld.idx.msk [tilespmem:v6+s3+$0x0], $0xffff  }
0x197: {  	v5 =	vmin.u32 v5, $0xFFFE;
	v12 =	vadd.s32 $0x1, v8;
	v21 =	vsub.f32 v2, v3;
	v3 =	vld [tilespmem:s4+$0x10]  }
0x198: {  	v16 =	vcvt.s32.f32 v5;
	v4 =	vcvt.s32.f32 v4  }
0x199: {  	v19 =	vtrunc.f32 v9;
	v13 =	vadd.s32 $0x1, v5;
	v18 =	vadd.s32 $0x1, v7  }
0x19a: {  	v16 =	vsub.f32 v1, v16;
	v1 =	vcvt.f32.s32 v19;
	v0 =	vsub.f32 v0, v4  }
0x19b: {  	v4 =	vsub.f32 v6, v10;
	v6 =	vld.idx.msk [tilespmem:v8+s3+$0x0], $0xffff;
	v8 =	vmul.f32 $6.553500000e+04, v11;
	v11 =	vmul.f32 $6.553500000e+04, v14  }
0x19c: {  	vm0 =	vgt.s32 v1, $0x0;
	v12 =	vld.idx.msk [tilespmem:v12+s3+$0x0], $0xffff;
	v14 =	vmul.f32 $6.553500000e+04, v17;
	v3 =	vmul.f32 $6.553500000e+04, v3  }
0x19d: {  	v22 =	vld.idx.msk [tilespmem:v5+s3+$0x0], $0xffff;
	v1 =	vnsel vm0, $0x0, v1;
	v0 =	vmul.f32 v0, v4;
	v17 =	vtrunc.f32 v11  }
0x19e: {  	v1 =	vmin.u32 v1, $0xFFFE;
	v4 =	vld.idx.msk [tilespmem:v13+s3+$0x0], $0xffff;
	v13 =	vtrunc.f32 v8;
	v17 =	vcvt.f32.s32 v17  }
0x19f: {  	v19 =	vadd.s32 $0x1, v1;
	v2 =	vtrunc.f32 v14;
	v13 =	vcvt.f32.s32 v13  }
0x1a0: {  	v58 =	vld [tilespmem:s4+$0xFFFFFFF0];
	v2 =	vcvt.f32.s32 v2;
	v20 =	vadd.f32 v0, v10;
	vm0 =	vgt.s32 v17, $0x0  }
0x1a1: {  	v0 =	vld.idx.msk [tilespmem:v7+s3+$0x0], $0xffff;
	vm1 =	vgt.s32 v13, $0x0;
	v5 =	vsub.f32 v12, v6;
	v7 =	vnsel vm0, $0x0, v17  }
0x1a2: {  	v18 =	vld.idx.msk [tilespmem:v18+s3+$0x0], $0xffff;
	v10 =	vnsel vm1, $0x0, v13;
	vm0 =	vgt.s32 v2, $0x0;
	v7 =	vmin.u32 v7, $0xFFFE  }
0x1a3: {  	v61 =	vld [tilespmem:s4+$0x0];
	v13 =	vmin.u32 v10, $0xFFFE;
	v2 =	vnsel vm0, $0x0, v2;
	v29 =	vsub.f32 v4, v22  }
0x1a4: {  	v19 =	vld.idx.msk [tilespmem:v19+s3+$0x0], $0xffff;
	v15 =	vmul.f32 v15, v5;
	v23 =	vmin.u32 v2, $0xFFFE;
	v2 =	vcvt.s32.f32 v7  }
0x1a5: {  	v17 =	vld.idx.msk [tilespmem:v1+s3+$0x0], $0xffff;
	v10 =	vadd.s32 $0x1, v7;
	v12 =	vadd.s32 $0x1, v13;
	v59 =	vcvt.s32.f32 v13  }
0x1a6: {  	v60 =	vadd.s32 $0x1, v23;
	v28 =	vcvt.s32.f32 v23;
	v2 =	vsub.f32 v11, v2;
	v11 =	vld [tilespmem:s4+$0xFFFFFFE0]  }
0x1a7: {  	v30 =	vsub.f32 v18, v0;
	v4 =	vsub.f32 v8, v59;
	v8 =	vcvt.s32.f32 v1  }
0x1a8: {  	v62 =	vmul.f32 v16, v29;
	v1 =	vsub.f32 v14, v28;
	v14 =	vtrunc.f32 v3  }
0x1a9: {  	v14 =	vcvt.f32.s32 v14;
	v16 =	vsub.f32 v9, v8;
	v8 =	vmul.f32 $6.553500000e+04, v58  }
0x1aa: {  	v6 =	vadd.f32 v15, v6;
	v18 =	vsub.f32 v19, v17;
	v5 =	vld.idx.msk [tilespmem:v7+s3+$0x0], $0xffff;
	v7 =	vmul.f32 $6.553500000e+04, v61  }
0x1ab: {  	v63 =	vld.idx.msk [tilespmem:v10+s3+$0x0], $0xffff;
	vm0 =	vgt.s32 v14, $0x0;
	v15 =	vtrunc.f32 v8;
	v9 =	vmul.f32 $6.553500000e+04, v11  }
0x1ac: {  	s2 =	simm.s32 $0x14020;
	v13 =	vld.idx.msk [tilespmem:v13+s3+$0x0], $0xffff;
	v11 =	vmul.f32 v16, v18;
	v18 =	vtrunc.f32 v7;
	v14 =	vnsel vm0, $0x0, v14  }
0x1ad: {  	[tilespmem:s2+$0x10] =	vst v20;
	v10 =	vld.idx.msk [tilespmem:v12+s3+$0x0], $0xffff;
	v20 =	vcvt.f32.s32 v15;
	v12 =	vmin.u32 v14, $0xFFFE;
	v16 =	vtrunc.f32 v9  }
0x1ae: {  	v17 =	vadd.f32 v11, v17;
	v19 =	vcvt.f32.s32 v16;
	v16 =	vadd.s32 $0x1, v12  }
0x1af: {  	s0 =	simm.s32 $0x14060;
	[tilespmem:s2+$0xFFFFFFE0] =	vst v6;
	v6 =	vld.idx.msk [tilespmem:v23+s3+$0x0], $0xffff;
	v18 =	vcvt.f32.s32 v18;
	v14 =	vmul.f32 v21, v30;
	vm1 =	vgt.s32 v20, $0x0  }
0x1b0: {  	s1 =	simm.s32 $0x8;
	s4 =	simm.s32 $0x100E0;
	v11 =	vld.idx.msk [tilespmem:v60+s3+$0x0], $0xffff;
	v15 =	vsub.f32 v63, v5;
	[tilespmem:s0+$0x10] =	vst v17;
	v17 =	vadd.f32 v62, v22;
	vm0 =	vgt.s32 v19, $0x0  }
.LBB2_10:
0x1b1: {  	v21 =	vld [tilespmem:s4+$0x10];
	s1 =	sadd.s32 $0x4, s1;
	v19 =	vnsel vm0, $0x0, v19;
	v20 =	vnsel vm1, $0x0, v20;
	vm0 =	vgt.s32 v18, $0x0;
	v22 =	vmovc v13  }
0x1b2: {  	p0 =	slt.u32 s1, $0x1FC;
	v13 =	vmin.u32 v19, $0xFFFE;
	v19 =	vmin.u32 v20, $0xFFFE;
	v18 =	vnsel vm0, $0x0, v18;
	v20 =	vld.idx.msk [tilespmem:v12+s3+$0x0], $0xffff;
	[tilespmem:s2+$0xFFFFFFF0] =	vst v17  }
0x1b3: {  	v17 =	vadd.s32 $0x1, v13;
	v23 =	vadd.s32 $0x1, v19;
	v18 =	vmin.u32 v18, $0xFFFE;
	v16 =	vld.idx.msk [tilespmem:v16+s3+$0x0], $0xffff  }
0x1b4: {  	v25 =	vcvt.s32.f32 v13;
	v26 =	vcvt.s32.f32 v19;
	v24 =	vld [tilespmem:s4+$0xFFFFFFF0];
	v27 =	vadd.s32 $0x1, v18  }
0x1b5: {  	v30 =	vsub.f32 v11, v6;
	v10 =	vsub.f32 v10, v22;
	v29 =	vcvt.s32.f32 v18;
	v28 =	vld [tilespmem:s4+$0x0]  }
0x1b6: {  	v9 =	vsub.f32 v9, v25;
	v31 =	vld [tilespmem:s4+$0xFFFFFFE0];
	v11 =	vmul.f32 $6.553500000e+04, v21;
	v21 =	vsub.f32 v8, v26  }
0x1b7: {  	v26 =	vsub.f32 v7, v29;
	v7 =	vcvt.s32.f32 v12;
	v12 =	vmul.f32 v2, v15;
	v25 =	vld.idx.msk [tilespmem:v13+s3+$0x0], $0xffff  }
0x1b8: {  	v29 =	vadd.f32 v14, v0;
	v2 =	vmovc v9;
	v8 =	vtrunc.f32 v11;
	v15 =	vld.idx.msk [tilespmem:v17+s3+$0x0], $0xffff;
	v17 =	vmul.f32 v4, v10  }
0x1b9: {  	v16 =	vsub.f32 v16, v20;
	v14 =	vcvt.f32.s32 v8;
	v10 =	vld.idx.msk [tilespmem:v23+s3+$0x0], $0xffff;
	v23 =	vsub.f32 v3, v7;
	v3 =	vmovc v11  }
0x1ba: {  	v4 =	vmovc v21;
	v8 =	vmul.f32 $6.553500000e+04, v24;
	v7 =	vmul.f32 $6.553500000e+04, v28;
	v11 =	vld.idx.msk [tilespmem:v27+s3+$0x0], $0xffff;
	v27 =	vadd.f32 v12, v5;
	[tilespmem:s2+$0x0] =	vst v29;
	s2 =	smov.u32 s0  }
0x1bb: {  	v0 =	vmovc v6;
	v9 =	vmul.f32 $6.553500000e+04, v31;
	vm0 =	vgt.s32 v14, $0x0;
	v13 =	vld.idx.msk [tilespmem:v19+s3+$0x0], $0xffff;
	v16 =	vmul.f32 v23, v16  }
.Ltmp4:
0x1bc: {  	v21 =	vtrunc.f32 v8;
	v23 =	vtrunc.f32 v7;
	v12 =	vnsel vm0, $0x0, v14;
	v6 =	vld.idx.msk [tilespmem:v18+s3+$0x0], $0xffff;
	[tilespmem:s0+$0xFFFFFFE0] =	vst v27;
	(pc) =	sbr.rel @p0 .LBB2_10-.Ltmp4, $4  }
0x1bd: {  	v5 =	vmovc v25;
	v14 =	vtrunc.f32 v9;
	v12 =	vmin.u32 v12, $0xFFFE;
	v24 =	vadd.f32 v16, v20  }
0x1be: {  	s0 =	sadd.s32 $0x40, s0;
	v20 =	vcvt.f32.s32 v21;
	v19 =	vcvt.f32.s32 v14;
	v16 =	vadd.s32 $0x1, v12  }
0x1bf: {  	v18 =	vcvt.f32.s32 v23;
	v15 =	vsub.f32 v15, v5;
	v14 =	vmul.f32 v1, v30;
	v1 =	vmovc v26;
	[tilespmem:s0+$0x10] =	vst v24  }
0x1c0: {  	s4 =	sadd.s32 $0x40, s4;
	v17 =	vadd.f32 v17, v22;
	vm1 =	vgt.s32 v20, $0x0;
	vm0 =	vgt.s32 v19, $0x0  }
0x1c1: {  	v19 =	vnsel vm0, $0x0, v19  }
0x1c2: {  	v20 =	vnsel vm1, $0x0, v20;
	v19 =	vmin.u32 v19, $0xFFFE  }
0x1c3: {  	v20 =	vmin.u32 v20, $0xFFFE  }
0x1c4: {  	vm0 =	vgt.s32 v18, $0x0;
	v21 =	vadd.s32 $0x1, v19  }
0x1c5: {  	v23 =	vld.idx.msk [tilespmem:v12+s3+$0x0], $0xffff;
	v18 =	vnsel vm0, $0x0, v18;
	v22 =	vadd.s32 $0x1, v20  }
0x1c6: {  	v16 =	vld.idx.msk [tilespmem:v16+s3+$0x0], $0xffff;
	v18 =	vmin.u32 v18, $0xFFFE  }
0x1c7: {  	v24 =	vadd.s32 $0x1, v18;
	v25 =	vld.idx.msk [tilespmem:v19+s3+$0x0], $0xffff  }
0x1c8: {  	v26 =	vcvt.s32.f32 v20;
	v20 =	vld.idx.msk [tilespmem:v20+s3+$0x0], $0xffff  }
0x1c9: {  	v12 =	vcvt.s32.f32 v12;
	v21 =	vld.idx.msk [tilespmem:v21+s3+$0x0], $0xffff  }
0x1ca: {  	v10 =	vsub.f32 v10, v13;
	v2 =	vmul.f32 v2, v15;
	v22 =	vld.idx.msk [tilespmem:v22+s3+$0x0], $0xffff  }
0x1cb: {  	v3 =	vsub.f32 v3, v12;
	v12 =	vsub.f32 v16, v23;
	v16 =	vld.idx.msk [tilespmem:v18+s3+$0x0], $0xffff  }
0x1cc: {  	v4 =	vmul.f32 v4, v10;
	v2 =	vadd.f32 v2, v5;
	v24 =	vld.idx.msk [tilespmem:v24+s3+$0x0], $0xffff  }
0x1cd: {  	v11 =	vsub.f32 v11, v6;
	v0 =	vadd.f32 v14, v0;
	v19 =	vcvt.s32.f32 v19  }
0x1ce: {  	v8 =	vsub.f32 v8, v26;
	[tilespmem:s0+$0xFFFFFFE0] =	vst v2;
	v2 =	vadd.f32 v4, v13;
	v3 =	vmul.f32 v3, v12  }
0x1cf: {  	v27 =	vcvt.s32.f32 v18;
	v9 =	vsub.f32 v9, v19;
	v5 =	vsub.f32 v21, v25  }
0x1d0: {  	[tilespmem:s2+$0x0] =	vst v0;
	v1 =	vmul.f32 v1, v11;
	v0 =	vadd.f32 v3, v23;
	v3 =	vsub.f32 v22, v20  }
0x1d1: {  	s1 =	sadd.s32 $0x40, s0;
	[tilespmem:s2+$0xFFFFFFF0] =	vst v17;
	v7 =	vsub.f32 v7, v27;
	v4 =	vsub.f32 v24, v16;
	v5 =	vmul.f32 v9, v5  }
0x1d2: {  	v1 =	vadd.f32 v1, v6;
	[tilespmem:s1+$0x10] =	vst v0;
	v0 =	vmul.f32 v8, v3  }
0x1d3: {  	[tilespmem:s0+$0xFFFFFFF0] =	vst v2;
	v3 =	vmul.f32 v7, v4;
	v2 =	vadd.f32 v5, v25  }
0x1d4: {  	[tilespmem:s0+$0x0] =	vst v1;
	v0 =	vadd.f32 v0, v20  }
0x1d5: {  	v1 =	vadd.f32 v3, v16;
	[tilespmem:s1+$0xFFFFFFE0] =	vst v2  }
0x1d6: {  	[tilespmem:s1+$0xFFFFFFF0] =	vst v0  }
0x1d7: {  	[tilespmem:s1+$0x0] =	vst v1  }
0x1d8: {  	[hbm4b:s14+s3] =	stream.linear.scatter [tilespmem:s25], [sflag:$0x3], $0x2000, $0x38;
	[tilespmem:$0x18000] =	vst v63  }
0x1d9: {  	_ = 	snop  }
0x1da: {  	[tilespmem:s21], [sflag:$0x1] =	stream.linear.gather [hbm4b:s15+s3], $0x2000, $0x38;
	[tilespmem:$0x18000] =	vst v63  }
0x1db: {  	_ =	swait.ge [sflag:s26], $0x2000  }
0x1dc: {  	[sflag:s26] =	ssyncset.done $0x0  }
0x1dd: {  	[sflag:s26] =	ssyncadd.s32 $0xFFFFE000  }
0x1de: {  	_ =	swait.ge [sflag:s30], $0x2000  }
0x1df: {  	[sflag:s30] =	ssyncset.done $0x0  }
0x1e0: {  	s1 =	simm.s32 $0x12020;
	[sflag:s30] =	ssyncadd.s32 $0xFFFFE000  }
0x1e1: {  	v0 =	vld [tilespmem:s1+$0x10];
	_ =	sdelay $0x1  }
0x1e2: {  	v3 =	vld [tilespmem:s1+$0xFFFFFFE0];
	_ =	sdelay $0x1  }
0x1e3: {  	v2 =	vld [tilespmem:s1+$0x0]  }
0x1e4: {  	v0 =	vmul.f32 $6.553500000e+04, v0  }
0x1e5: {  	v1 =	vld [tilespmem:s1+$0xFFFFFFF0]  }
0x1e6: {  	v3 =	vmul.f32 $6.553500000e+04, v3;
	v4 =	vtrunc.f32 v0  }
0x1e7: {  	v4 =	vcvt.f32.s32 v4  }
0x1e8: {  	v2 =	vmul.f32 $6.553500000e+04, v2;
	v8 =	vtrunc.f32 v3  }
0x1e9: {  	v8 =	vcvt.f32.s32 v8;
	vm0 =	vgt.s32 v4, $0x0  }
0x1ea: {  	v1 =	vmul.f32 $6.553500000e+04, v1;
	v7 =	vtrunc.f32 v2;
	v4 =	vnsel vm0, $0x0, v4  }
0x1eb: {  	s2 =	simm.s32 $0x12060;
	v7 =	vcvt.f32.s32 v7;
	vm0 =	vgt.s32 v8, $0x0;
	v4 =	vmin.u32 v4, $0xFFFE  }
0x1ec: {  	v9 =	vld [tilespmem:s2+$0x10];
	v8 =	vnsel vm0, $0x0, v8;
	v6 =	vadd.s32 $0x1, v4  }
0x1ed: {  	v11 =	vld [tilespmem:s2+$0xFFFFFFF0];
	v5 =	vtrunc.f32 v1;
	vm0 =	vgt.s32 v7, $0x0;
	v8 =	vmin.u32 v8, $0xFFFE  }
0x1ee: {  	v14 =	vld [tilespmem:s2+$0xFFFFFFE0];
	v5 =	vcvt.f32.s32 v5;
	v7 =	vnsel vm0, $0x0, v7;
	v15 =	vcvt.s32.f32 v8  }
0x1ef: {  	v17 =	vld [tilespmem:s2+$0x0];
	v7 =	vmin.u32 v7, $0xFFFE  }
0x1f0: {  	vm1 =	vgt.s32 v5, $0x0;
	v15 =	vsub.f32 v3, v15;
	v3 =	vcvt.s32.f32 v7;
	v10 =	vld.idx.msk [tilespmem:v4+s3+$0x0], $0xffff  }
0x1f1: {  	s4 =	simm.s32 $0x120A0;
	v9 =	vmul.f32 $6.553500000e+04, v9;
	v5 =	vnsel vm1, $0x0, v5;
	v6 =	vld.idx.msk [tilespmem:v6+s3+$0x0], $0xffff  }
0x1f2: {  	v5 =	vmin.u32 v5, $0xFFFE;
	v12 =	vadd.s32 $0x1, v8;
	v21 =	vsub.f32 v2, v3;
	v3 =	vld [tilespmem:s4+$0x10]  }
0x1f3: {  	v16 =	vcvt.s32.f32 v5;
	v4 =	vcvt.s32.f32 v4  }
0x1f4: {  	v19 =	vtrunc.f32 v9;
	v13 =	vadd.s32 $0x1, v5;
	v18 =	vadd.s32 $0x1, v7  }
0x1f5: {  	v16 =	vsub.f32 v1, v16;
	v1 =	vcvt.f32.s32 v19;
	v0 =	vsub.f32 v0, v4  }
0x1f6: {  	v4 =	vsub.f32 v6, v10;
	v6 =	vld.idx.msk [tilespmem:v8+s3+$0x0], $0xffff;
	v8 =	vmul.f32 $6.553500000e+04, v11;
	v11 =	vmul.f32 $6.553500000e+04, v14  }
0x1f7: {  	vm0 =	vgt.s32 v1, $0x0;
	v12 =	vld.idx.msk [tilespmem:v12+s3+$0x0], $0xffff;
	v14 =	vmul.f32 $6.553500000e+04, v17;
	v3 =	vmul.f32 $6.553500000e+04, v3  }
0x1f8: {  	v22 =	vld.idx.msk [tilespmem:v5+s3+$0x0], $0xffff;
	v1 =	vnsel vm0, $0x0, v1;
	v0 =	vmul.f32 v0, v4;
	v17 =	vtrunc.f32 v11  }
0x1f9: {  	v1 =	vmin.u32 v1, $0xFFFE;
	v4 =	vld.idx.msk [tilespmem:v13+s3+$0x0], $0xffff;
	v13 =	vtrunc.f32 v8;
	v17 =	vcvt.f32.s32 v17  }
0x1fa: {  	v19 =	vadd.s32 $0x1, v1;
	v2 =	vtrunc.f32 v14;
	v13 =	vcvt.f32.s32 v13  }
0x1fb: {  	v58 =	vld [tilespmem:s4+$0xFFFFFFF0];
	v2 =	vcvt.f32.s32 v2;
	v20 =	vadd.f32 v0, v10;
	vm0 =	vgt.s32 v17, $0x0  }
0x1fc: {  	v0 =	vld.idx.msk [tilespmem:v7+s3+$0x0], $0xffff;
	vm1 =	vgt.s32 v13, $0x0;
	v5 =	vsub.f32 v12, v6;
	v7 =	vnsel vm0, $0x0, v17  }
0x1fd: {  	v18 =	vld.idx.msk [tilespmem:v18+s3+$0x0], $0xffff;
	v10 =	vnsel vm1, $0x0, v13;
	vm0 =	vgt.s32 v2, $0x0;
	v7 =	vmin.u32 v7, $0xFFFE  }
0x1fe: {  	v61 =	vld [tilespmem:s4+$0x0];
	v13 =	vmin.u32 v10, $0xFFFE;
	v2 =	vnsel vm0, $0x0, v2;
	v29 =	vsub.f32 v4, v22  }
0x1ff: {  	v19 =	vld.idx.msk [tilespmem:v19+s3+$0x0], $0xffff;
	v15 =	vmul.f32 v15, v5;
	v23 =	vmin.u32 v2, $0xFFFE;
	v2 =	vcvt.s32.f32 v7  }
0x200: {  	v17 =	vld.idx.msk [tilespmem:v1+s3+$0x0], $0xffff;
	v10 =	vadd.s32 $0x1, v7;
	v12 =	vadd.s32 $0x1, v13;
	v59 =	vcvt.s32.f32 v13  }
0x201: {  	v60 =	vadd.s32 $0x1, v23;
	v28 =	vcvt.s32.f32 v23;
	v2 =	vsub.f32 v11, v2;
	v11 =	vld [tilespmem:s4+$0xFFFFFFE0]  }
0x202: {  	v30 =	vsub.f32 v18, v0;
	v4 =	vsub.f32 v8, v59;
	v8 =	vcvt.s32.f32 v1  }
0x203: {  	v62 =	vmul.f32 v16, v29;
	v1 =	vsub.f32 v14, v28;
	v14 =	vtrunc.f32 v3  }
0x204: {  	v14 =	vcvt.f32.s32 v14;
	v16 =	vsub.f32 v9, v8;
	v8 =	vmul.f32 $6.553500000e+04, v58  }
0x205: {  	v6 =	vadd.f32 v15, v6;
	v18 =	vsub.f32 v19, v17;
	v5 =	vld.idx.msk [tilespmem:v7+s3+$0x0], $0xffff;
	v7 =	vmul.f32 $6.553500000e+04, v61  }
0x206: {  	v63 =	vld.idx.msk [tilespmem:v10+s3+$0x0], $0xffff;
	vm0 =	vgt.s32 v14, $0x0;
	v15 =	vtrunc.f32 v8;
	v9 =	vmul.f32 $6.553500000e+04, v11  }
0x207: {  	s2 =	simm.s32 $0x16020;
	v13 =	vld.idx.msk [tilespmem:v13+s3+$0x0], $0xffff;
	v11 =	vmul.f32 v16, v18;
	v18 =	vtrunc.f32 v7;
	v14 =	vnsel vm0, $0x0, v14  }
0x208: {  	[tilespmem:s2+$0x10] =	vst v20;
	v10 =	vld.idx.msk [tilespmem:v12+s3+$0x0], $0xffff;
	v20 =	vcvt.f32.s32 v15;
	v12 =	vmin.u32 v14, $0xFFFE;
	v16 =	vtrunc.f32 v9  }
0x209: {  	v17 =	vadd.f32 v11, v17;
	v19 =	vcvt.f32.s32 v16;
	v16 =	vadd.s32 $0x1, v12  }
0x20a: {  	s0 =	simm.s32 $0x16060;
	[tilespmem:s2+$0xFFFFFFE0] =	vst v6;
	v6 =	vld.idx.msk [tilespmem:v23+s3+$0x0], $0xffff;
	v18 =	vcvt.f32.s32 v18;
	v14 =	vmul.f32 v21, v30;
	vm1 =	vgt.s32 v20, $0x0  }
0x20b: {  	s1 =	simm.s32 $0x8;
	s4 =	simm.s32 $0x120E0;
	v11 =	vld.idx.msk [tilespmem:v60+s3+$0x0], $0xffff;
	v15 =	vsub.f32 v63, v5;
	[tilespmem:s0+$0x10] =	vst v17;
	v17 =	vadd.f32 v62, v22;
	vm0 =	vgt.s32 v19, $0x0  }
.LBB2_12:
0x20c: {  	v21 =	vld [tilespmem:s4+$0x10];
	s1 =	sadd.s32 $0x4, s1;
	v19 =	vnsel vm0, $0x0, v19;
	v20 =	vnsel vm1, $0x0, v20;
	vm0 =	vgt.s32 v18, $0x0;
	v22 =	vmovc v13  }
0x20d: {  	p0 =	slt.u32 s1, $0x1FC;
	v13 =	vmin.u32 v19, $0xFFFE;
	v19 =	vmin.u32 v20, $0xFFFE;
	v18 =	vnsel vm0, $0x0, v18;
	v20 =	vld.idx.msk [tilespmem:v12+s3+$0x0], $0xffff;
	[tilespmem:s2+$0xFFFFFFF0] =	vst v17  }
0x20e: {  	v17 =	vadd.s32 $0x1, v13;
	v23 =	vadd.s32 $0x1, v19;
	v18 =	vmin.u32 v18, $0xFFFE;
	v16 =	vld.idx.msk [tilespmem:v16+s3+$0x0], $0xffff  }
0x20f: {  	v25 =	vcvt.s32.f32 v13;
	v26 =	vcvt.s32.f32 v19;
	v24 =	vld [tilespmem:s4+$0xFFFFFFF0];
	v27 =	vadd.s32 $0x1, v18  }
0x210: {  	v30 =	vsub.f32 v11, v6;
	v10 =	vsub.f32 v10, v22;
	v29 =	vcvt.s32.f32 v18;
	v28 =	vld [tilespmem:s4+$0x0]  }
0x211: {  	v9 =	vsub.f32 v9, v25;
	v31 =	vld [tilespmem:s4+$0xFFFFFFE0];
	v11 =	vmul.f32 $6.553500000e+04, v21;
	v21 =	vsub.f32 v8, v26  }
0x212: {  	v26 =	vsub.f32 v7, v29;
	v7 =	vcvt.s32.f32 v12;
	v12 =	vmul.f32 v2, v15;
	v25 =	vld.idx.msk [tilespmem:v13+s3+$0x0], $0xffff  }
0x213: {  	v29 =	vadd.f32 v14, v0;
	v2 =	vmovc v9;
	v8 =	vtrunc.f32 v11;
	v15 =	vld.idx.msk [tilespmem:v17+s3+$0x0], $0xffff;
	v17 =	vmul.f32 v4, v10  }
0x214: {  	v16 =	vsub.f32 v16, v20;
	v14 =	vcvt.f32.s32 v8;
	v10 =	vld.idx.msk [tilespmem:v23+s3+$0x0], $0xffff;
	v23 =	vsub.f32 v3, v7;
	v3 =	vmovc v11  }
0x215: {  	v4 =	vmovc v21;
	v8 =	vmul.f32 $6.553500000e+04, v24;
	v7 =	vmul.f32 $6.553500000e+04, v28;
	v11 =	vld.idx.msk [tilespmem:v27+s3+$0x0], $0xffff;
	v27 =	vadd.f32 v12, v5;
	[tilespmem:s2+$0x0] =	vst v29;
	s2 =	smov.u32 s0  }
0x216: {  	v0 =	vmovc v6;
	v9 =	vmul.f32 $6.553500000e+04, v31;
	vm0 =	vgt.s32 v14, $0x0;
	v13 =	vld.idx.msk [tilespmem:v19+s3+$0x0], $0xffff;
	v16 =	vmul.f32 v23, v16  }
.Ltmp5:
0x217: {  	v21 =	vtrunc.f32 v8;
	v23 =	vtrunc.f32 v7;
	v12 =	vnsel vm0, $0x0, v14;
	v6 =	vld.idx.msk [tilespmem:v18+s3+$0x0], $0xffff;
	[tilespmem:s0+$0xFFFFFFE0] =	vst v27;
	(pc) =	sbr.rel @p0 .LBB2_12-.Ltmp5, $4  }
0x218: {  	v5 =	vmovc v25;
	v14 =	vtrunc.f32 v9;
	v12 =	vmin.u32 v12, $0xFFFE;
	v24 =	vadd.f32 v16, v20  }
0x219: {  	s0 =	sadd.s32 $0x40, s0;
	v20 =	vcvt.f32.s32 v21;
	v19 =	vcvt.f32.s32 v14;
	v16 =	vadd.s32 $0x1, v12  }
0x21a: {  	v18 =	vcvt.f32.s32 v23;
	v15 =	vsub.f32 v15, v5;
	v14 =	vmul.f32 v1, v30;
	v1 =	vmovc v26;
	[tilespmem:s0+$0x10] =	vst v24  }
0x21b: {  	s4 =	sadd.s32 $0x40, s4;
	v17 =	vadd.f32 v17, v22;
	vm1 =	vgt.s32 v20, $0x0;
	vm0 =	vgt.s32 v19, $0x0  }
0x21c: {  	v19 =	vnsel vm0, $0x0, v19  }
0x21d: {  	v20 =	vnsel vm1, $0x0, v20;
	v19 =	vmin.u32 v19, $0xFFFE  }
0x21e: {  	v20 =	vmin.u32 v20, $0xFFFE  }
0x21f: {  	vm0 =	vgt.s32 v18, $0x0;
	v21 =	vadd.s32 $0x1, v19  }
0x220: {  	v23 =	vld.idx.msk [tilespmem:v12+s3+$0x0], $0xffff;
	v18 =	vnsel vm0, $0x0, v18;
	v22 =	vadd.s32 $0x1, v20  }
0x221: {  	v16 =	vld.idx.msk [tilespmem:v16+s3+$0x0], $0xffff;
	v18 =	vmin.u32 v18, $0xFFFE  }
0x222: {  	v24 =	vadd.s32 $0x1, v18;
	v25 =	vld.idx.msk [tilespmem:v19+s3+$0x0], $0xffff  }
0x223: {  	v26 =	vcvt.s32.f32 v20;
	v20 =	vld.idx.msk [tilespmem:v20+s3+$0x0], $0xffff  }
0x224: {  	v12 =	vcvt.s32.f32 v12;
	v21 =	vld.idx.msk [tilespmem:v21+s3+$0x0], $0xffff  }
0x225: {  	v10 =	vsub.f32 v10, v13;
	v2 =	vmul.f32 v2, v15;
	v22 =	vld.idx.msk [tilespmem:v22+s3+$0x0], $0xffff  }
0x226: {  	v3 =	vsub.f32 v3, v12;
	v12 =	vsub.f32 v16, v23;
	v16 =	vld.idx.msk [tilespmem:v18+s3+$0x0], $0xffff  }
0x227: {  	v4 =	vmul.f32 v4, v10;
	v2 =	vadd.f32 v2, v5;
	v24 =	vld.idx.msk [tilespmem:v24+s3+$0x0], $0xffff  }
0x228: {  	v11 =	vsub.f32 v11, v6;
	v0 =	vadd.f32 v14, v0;
	v19 =	vcvt.s32.f32 v19  }
0x229: {  	v8 =	vsub.f32 v8, v26;
	[tilespmem:s0+$0xFFFFFFE0] =	vst v2;
	v2 =	vadd.f32 v4, v13;
	v3 =	vmul.f32 v3, v12  }
0x22a: {  	v27 =	vcvt.s32.f32 v18;
	v9 =	vsub.f32 v9, v19;
	v5 =	vsub.f32 v21, v25  }
0x22b: {  	[tilespmem:s2+$0x0] =	vst v0;
	v1 =	vmul.f32 v1, v11;
	v0 =	vadd.f32 v3, v23;
	v3 =	vsub.f32 v22, v20  }
0x22c: {  	s1 =	sadd.s32 $0x40, s0;
	[tilespmem:s2+$0xFFFFFFF0] =	vst v17;
	v7 =	vsub.f32 v7, v27;
	v4 =	vsub.f32 v24, v16;
	v5 =	vmul.f32 v9, v5  }
0x22d: {  	v1 =	vadd.f32 v1, v6;
	[tilespmem:s1+$0x10] =	vst v0;
	v0 =	vmul.f32 v8, v3  }
0x22e: {  	[tilespmem:s0+$0xFFFFFFF0] =	vst v2;
	v3 =	vmul.f32 v7, v4;
	v2 =	vadd.f32 v5, v25  }
0x22f: {  	[tilespmem:s0+$0x0] =	vst v1;
	v0 =	vadd.f32 v0, v20  }
0x230: {  	v1 =	vadd.f32 v3, v16;
	[tilespmem:s1+$0xFFFFFFE0] =	vst v2  }
0x231: {  	[tilespmem:s1+$0xFFFFFFF0] =	vst v0  }
0x232: {  	[tilespmem:s1+$0x0] =	vst v1  }
0x233: {  	[hbm4b:s16+s3] =	stream.linear.scatter [tilespmem:s28], [sflag:$0x4], $0x2000, $0x38;
	[tilespmem:$0x18000] =	vst v63  }
0x234: {  	_ = 	snop  }
0x235: {  	[tilespmem:s23], [sflag:$0x2] =	stream.linear.gather [hbm4b:s17+s3], $0x2000, $0x38;
	[tilespmem:$0x18000] =	vst v63  }
0x236: {  	_ =	swait.ge [sflag:s24], $0x2000  }
0x237: {  	[sflag:s24] =	ssyncset.done $0x0  }
0x238: {  	[sflag:s24] =	ssyncadd.s32 $0xFFFFE000  }
0x239: {  	_ =	swait.ge [sflag:s29], $0x2000  }
0x23a: {  	[sflag:s29] =	ssyncset.done $0x0  }
0x23b: {  	s1 =	simm.s32 $0x10020;
	[sflag:s29] =	ssyncadd.s32 $0xFFFFE000  }
0x23c: {  	v0 =	vld [tilespmem:s1+$0x10];
	_ =	sdelay $0x1  }
0x23d: {  	v3 =	vld [tilespmem:s1+$0xFFFFFFE0];
	_ =	sdelay $0x1  }
0x23e: {  	v2 =	vld [tilespmem:s1+$0x0]  }
0x23f: {  	v0 =	vmul.f32 $6.553500000e+04, v0  }
0x240: {  	v1 =	vld [tilespmem:s1+$0xFFFFFFF0]  }
0x241: {  	v3 =	vmul.f32 $6.553500000e+04, v3;
	v4 =	vtrunc.f32 v0  }
0x242: {  	v4 =	vcvt.f32.s32 v4  }
0x243: {  	v2 =	vmul.f32 $6.553500000e+04, v2;
	v8 =	vtrunc.f32 v3  }
0x244: {  	v8 =	vcvt.f32.s32 v8;
	vm0 =	vgt.s32 v4, $0x0  }
0x245: {  	v1 =	vmul.f32 $6.553500000e+04, v1;
	v7 =	vtrunc.f32 v2;
	v4 =	vnsel vm0, $0x0, v4  }
0x246: {  	s2 =	simm.s32 $0x10060;
	v7 =	vcvt.f32.s32 v7;
	vm0 =	vgt.s32 v8, $0x0;
	v4 =	vmin.u32 v4, $0xFFFE  }
0x247: {  	v9 =	vld [tilespmem:s2+$0x10];
	v8 =	vnsel vm0, $0x0, v8;
	v6 =	vadd.s32 $0x1, v4  }
0x248: {  	v11 =	vld [tilespmem:s2+$0xFFFFFFF0];
	v5 =	vtrunc.f32 v1;
	vm0 =	vgt.s32 v7, $0x0;
	v8 =	vmin.u32 v8, $0xFFFE  }
0x249: {  	v14 =	vld [tilespmem:s2+$0xFFFFFFE0];
	v5 =	vcvt.f32.s32 v5;
	v7 =	vnsel vm0, $0x0, v7;
	v15 =	vcvt.s32.f32 v8  }
0x24a: {  	v17 =	vld [tilespmem:s2+$0x0];
	v7 =	vmin.u32 v7, $0xFFFE  }
0x24b: {  	vm1 =	vgt.s32 v5, $0x0;
	v15 =	vsub.f32 v3, v15;
	v3 =	vcvt.s32.f32 v7;
	v10 =	vld.idx.msk [tilespmem:v4+s3+$0x0], $0xffff  }
0x24c: {  	s4 =	simm.s32 $0x100A0;
	v9 =	vmul.f32 $6.553500000e+04, v9;
	v5 =	vnsel vm1, $0x0, v5;
	v6 =	vld.idx.msk [tilespmem:v6+s3+$0x0], $0xffff  }
0x24d: {  	v5 =	vmin.u32 v5, $0xFFFE;
	v12 =	vadd.s32 $0x1, v8;
	v21 =	vsub.f32 v2, v3;
	v3 =	vld [tilespmem:s4+$0x10]  }
0x24e: {  	v16 =	vcvt.s32.f32 v5;
	v4 =	vcvt.s32.f32 v4  }
0x24f: {  	v19 =	vtrunc.f32 v9;
	v13 =	vadd.s32 $0x1, v5;
	v18 =	vadd.s32 $0x1, v7  }
0x250: {  	v16 =	vsub.f32 v1, v16;
	v1 =	vcvt.f32.s32 v19;
	v0 =	vsub.f32 v0, v4  }
0x251: {  	v4 =	vsub.f32 v6, v10;
	v6 =	vld.idx.msk [tilespmem:v8+s3+$0x0], $0xffff;
	v8 =	vmul.f32 $6.553500000e+04, v11;
	v11 =	vmul.f32 $6.553500000e+04, v14  }
0x252: {  	vm0 =	vgt.s32 v1, $0x0;
	v12 =	vld.idx.msk [tilespmem:v12+s3+$0x0], $0xffff;
	v14 =	vmul.f32 $6.553500000e+04, v17;
	v3 =	vmul.f32 $6.553500000e+04, v3  }
0x253: {  	v22 =	vld.idx.msk [tilespmem:v5+s3+$0x0], $0xffff;
	v1 =	vnsel vm0, $0x0, v1;
	v0 =	vmul.f32 v0, v4;
	v17 =	vtrunc.f32 v11  }
0x254: {  	v1 =	vmin.u32 v1, $0xFFFE;
	v4 =	vld.idx.msk [tilespmem:v13+s3+$0x0], $0xffff;
	v13 =	vtrunc.f32 v8;
	v17 =	vcvt.f32.s32 v17  }
0x255: {  	v19 =	vadd.s32 $0x1, v1;
	v2 =	vtrunc.f32 v14;
	v13 =	vcvt.f32.s32 v13  }
0x256: {  	v58 =	vld [tilespmem:s4+$0xFFFFFFF0];
	v2 =	vcvt.f32.s32 v2;
	v20 =	vadd.f32 v0, v10;
	vm0 =	vgt.s32 v17, $0x0  }
0x257: {  	v0 =	vld.idx.msk [tilespmem:v7+s3+$0x0], $0xffff;
	vm1 =	vgt.s32 v13, $0x0;
	v5 =	vsub.f32 v12, v6;
	v7 =	vnsel vm0, $0x0, v17  }
0x258: {  	v18 =	vld.idx.msk [tilespmem:v18+s3+$0x0], $0xffff;
	v10 =	vnsel vm1, $0x0, v13;
	vm0 =	vgt.s32 v2, $0x0;
	v7 =	vmin.u32 v7, $0xFFFE  }
0x259: {  	v61 =	vld [tilespmem:s4+$0x0];
	v13 =	vmin.u32 v10, $0xFFFE;
	v2 =	vnsel vm0, $0x0, v2;
	v29 =	vsub.f32 v4, v22  }
0x25a: {  	v19 =	vld.idx.msk [tilespmem:v19+s3+$0x0], $0xffff;
	v15 =	vmul.f32 v15, v5;
	v23 =	vmin.u32 v2, $0xFFFE;
	v2 =	vcvt.s32.f32 v7  }
0x25b: {  	v17 =	vld.idx.msk [tilespmem:v1+s3+$0x0], $0xffff;
	v10 =	vadd.s32 $0x1, v7;
	v12 =	vadd.s32 $0x1, v13;
	v59 =	vcvt.s32.f32 v13  }
0x25c: {  	v60 =	vadd.s32 $0x1, v23;
	v28 =	vcvt.s32.f32 v23;
	v2 =	vsub.f32 v11, v2;
	v11 =	vld [tilespmem:s4+$0xFFFFFFE0]  }
0x25d: {  	v30 =	vsub.f32 v18, v0;
	v4 =	vsub.f32 v8, v59;
	v8 =	vcvt.s32.f32 v1  }
0x25e: {  	v62 =	vmul.f32 v16, v29;
	v1 =	vsub.f32 v14, v28;
	v14 =	vtrunc.f32 v3  }
0x25f: {  	v14 =	vcvt.f32.s32 v14;
	v16 =	vsub.f32 v9, v8;
	v8 =	vmul.f32 $6.553500000e+04, v58  }
0x260: {  	v6 =	vadd.f32 v15, v6;
	v18 =	vsub.f32 v19, v17;
	v5 =	vld.idx.msk [tilespmem:v7+s3+$0x0], $0xffff;
	v7 =	vmul.f32 $6.553500000e+04, v61  }
0x261: {  	v63 =	vld.idx.msk [tilespmem:v10+s3+$0x0], $0xffff;
	vm0 =	vgt.s32 v14, $0x0;
	v15 =	vtrunc.f32 v8;
	v9 =	vmul.f32 $6.553500000e+04, v11  }
0x262: {  	s2 =	simm.s32 $0x14020;
	v13 =	vld.idx.msk [tilespmem:v13+s3+$0x0], $0xffff;
	v11 =	vmul.f32 v16, v18;
	v18 =	vtrunc.f32 v7;
	v14 =	vnsel vm0, $0x0, v14  }
0x263: {  	[tilespmem:s2+$0x10] =	vst v20;
	v10 =	vld.idx.msk [tilespmem:v12+s3+$0x0], $0xffff;
	v20 =	vcvt.f32.s32 v15;
	v12 =	vmin.u32 v14, $0xFFFE;
	v16 =	vtrunc.f32 v9  }
0x264: {  	v17 =	vadd.f32 v11, v17;
	v19 =	vcvt.f32.s32 v16;
	v16 =	vadd.s32 $0x1, v12  }
0x265: {  	s0 =	simm.s32 $0x14060;
	[tilespmem:s2+$0xFFFFFFE0] =	vst v6;
	v6 =	vld.idx.msk [tilespmem:v23+s3+$0x0], $0xffff;
	v18 =	vcvt.f32.s32 v18;
	v14 =	vmul.f32 v21, v30;
	vm1 =	vgt.s32 v20, $0x0  }
0x266: {  	s1 =	simm.s32 $0x8;
	s4 =	simm.s32 $0x100E0;
	v11 =	vld.idx.msk [tilespmem:v60+s3+$0x0], $0xffff;
	v15 =	vsub.f32 v63, v5;
	[tilespmem:s0+$0x10] =	vst v17;
	v17 =	vadd.f32 v62, v22;
	vm0 =	vgt.s32 v19, $0x0  }
.LBB2_14:
0x267: {  	v21 =	vld [tilespmem:s4+$0x10];
	s1 =	sadd.s32 $0x4, s1;
	v19 =	vnsel vm0, $0x0, v19;
	v20 =	vnsel vm1, $0x0, v20;
	vm0 =	vgt.s32 v18, $0x0;
	v22 =	vmovc v13  }
0x268: {  	p0 =	slt.u32 s1, $0x1FC;
	v13 =	vmin.u32 v19, $0xFFFE;
	v19 =	vmin.u32 v20, $0xFFFE;
	v18 =	vnsel vm0, $0x0, v18;
	v20 =	vld.idx.msk [tilespmem:v12+s3+$0x0], $0xffff;
	[tilespmem:s2+$0xFFFFFFF0] =	vst v17  }
0x269: {  	v17 =	vadd.s32 $0x1, v13;
	v23 =	vadd.s32 $0x1, v19;
	v18 =	vmin.u32 v18, $0xFFFE;
	v16 =	vld.idx.msk [tilespmem:v16+s3+$0x0], $0xffff  }
0x26a: {  	v25 =	vcvt.s32.f32 v13;
	v26 =	vcvt.s32.f32 v19;
	v24 =	vld [tilespmem:s4+$0xFFFFFFF0];
	v27 =	vadd.s32 $0x1, v18  }
0x26b: {  	v30 =	vsub.f32 v11, v6;
	v10 =	vsub.f32 v10, v22;
	v29 =	vcvt.s32.f32 v18;
	v28 =	vld [tilespmem:s4+$0x0]  }
0x26c: {  	v9 =	vsub.f32 v9, v25;
	v31 =	vld [tilespmem:s4+$0xFFFFFFE0];
	v11 =	vmul.f32 $6.553500000e+04, v21;
	v21 =	vsub.f32 v8, v26  }
0x26d: {  	v26 =	vsub.f32 v7, v29;
	v7 =	vcvt.s32.f32 v12;
	v12 =	vmul.f32 v2, v15;
	v25 =	vld.idx.msk [tilespmem:v13+s3+$0x0], $0xffff  }
0x26e: {  	v29 =	vadd.f32 v14, v0;
	v2 =	vmovc v9;
	v8 =	vtrunc.f32 v11;
	v15 =	vld.idx.msk [tilespmem:v17+s3+$0x0], $0xffff;
	v17 =	vmul.f32 v4, v10  }
0x26f: {  	v16 =	vsub.f32 v16, v20;
	v14 =	vcvt.f32.s32 v8;
	v10 =	vld.idx.msk [tilespmem:v23+s3+$0x0], $0xffff;
	v23 =	vsub.f32 v3, v7;
	v3 =	vmovc v11  }
0x270: {  	v4 =	vmovc v21;
	v8 =	vmul.f32 $6.553500000e+04, v24;
	v7 =	vmul.f32 $6.553500000e+04, v28;
	v11 =	vld.idx.msk [tilespmem:v27+s3+$0x0], $0xffff;
	v27 =	vadd.f32 v12, v5;
	[tilespmem:s2+$0x0] =	vst v29;
	s2 =	smov.u32 s0  }
0x271: {  	v0 =	vmovc v6;
	v9 =	vmul.f32 $6.553500000e+04, v31;
	vm0 =	vgt.s32 v14, $0x0;
	v13 =	vld.idx.msk [tilespmem:v19+s3+$0x0], $0xffff;
	v16 =	vmul.f32 v23, v16  }
.Ltmp6:
0x272: {  	v21 =	vtrunc.f32 v8;
	v23 =	vtrunc.f32 v7;
	v12 =	vnsel vm0, $0x0, v14;
	v6 =	vld.idx.msk [tilespmem:v18+s3+$0x0], $0xffff;
	[tilespmem:s0+$0xFFFFFFE0] =	vst v27;
	(pc) =	sbr.rel @p0 .LBB2_14-.Ltmp6, $4  }
0x273: {  	v5 =	vmovc v25;
	v14 =	vtrunc.f32 v9;
	v12 =	vmin.u32 v12, $0xFFFE;
	v24 =	vadd.f32 v16, v20  }
0x274: {  	s0 =	sadd.s32 $0x40, s0;
	v20 =	vcvt.f32.s32 v21;
	v19 =	vcvt.f32.s32 v14;
	v16 =	vadd.s32 $0x1, v12  }
0x275: {  	v18 =	vcvt.f32.s32 v23;
	v15 =	vsub.f32 v15, v5;
	v14 =	vmul.f32 v1, v30;
	v1 =	vmovc v26;
	[tilespmem:s0+$0x10] =	vst v24  }
0x276: {  	s4 =	sadd.s32 $0x40, s4;
	v17 =	vadd.f32 v17, v22;
	vm1 =	vgt.s32 v20, $0x0;
	vm0 =	vgt.s32 v19, $0x0  }
0x277: {  	v19 =	vnsel vm0, $0x0, v19  }
0x278: {  	v20 =	vnsel vm1, $0x0, v20;
	v19 =	vmin.u32 v19, $0xFFFE  }
0x279: {  	v20 =	vmin.u32 v20, $0xFFFE  }
0x27a: {  	vm0 =	vgt.s32 v18, $0x0;
	v21 =	vadd.s32 $0x1, v19  }
0x27b: {  	v23 =	vld.idx.msk [tilespmem:v12+s3+$0x0], $0xffff;
	v18 =	vnsel vm0, $0x0, v18;
	v22 =	vadd.s32 $0x1, v20  }
0x27c: {  	v16 =	vld.idx.msk [tilespmem:v16+s3+$0x0], $0xffff;
	v18 =	vmin.u32 v18, $0xFFFE  }
0x27d: {  	v24 =	vadd.s32 $0x1, v18;
	v25 =	vld.idx.msk [tilespmem:v19+s3+$0x0], $0xffff  }
0x27e: {  	v26 =	vcvt.s32.f32 v20;
	v20 =	vld.idx.msk [tilespmem:v20+s3+$0x0], $0xffff  }
0x27f: {  	v12 =	vcvt.s32.f32 v12;
	v21 =	vld.idx.msk [tilespmem:v21+s3+$0x0], $0xffff  }
0x280: {  	v10 =	vsub.f32 v10, v13;
	v2 =	vmul.f32 v2, v15;
	v22 =	vld.idx.msk [tilespmem:v22+s3+$0x0], $0xffff  }
0x281: {  	v3 =	vsub.f32 v3, v12;
	v12 =	vsub.f32 v16, v23;
	v16 =	vld.idx.msk [tilespmem:v18+s3+$0x0], $0xffff  }
0x282: {  	v4 =	vmul.f32 v4, v10;
	v2 =	vadd.f32 v2, v5;
	v24 =	vld.idx.msk [tilespmem:v24+s3+$0x0], $0xffff  }
0x283: {  	v11 =	vsub.f32 v11, v6;
	v0 =	vadd.f32 v14, v0;
	v19 =	vcvt.s32.f32 v19  }
0x284: {  	v8 =	vsub.f32 v8, v26;
	[tilespmem:s0+$0xFFFFFFE0] =	vst v2;
	v2 =	vadd.f32 v4, v13;
	v3 =	vmul.f32 v3, v12  }
0x285: {  	v27 =	vcvt.s32.f32 v18;
	v9 =	vsub.f32 v9, v19;
	v5 =	vsub.f32 v21, v25  }
0x286: {  	[tilespmem:s2+$0x0] =	vst v0;
	v1 =	vmul.f32 v1, v11;
	v0 =	vadd.f32 v3, v23;
	v3 =	vsub.f32 v22, v20  }
0x287: {  	s1 =	sadd.s32 $0x40, s0;
	[tilespmem:s2+$0xFFFFFFF0] =	vst v17;
	v7 =	vsub.f32 v7, v27;
	v4 =	vsub.f32 v24, v16;
	v5 =	vmul.f32 v9, v5  }
0x288: {  	v1 =	vadd.f32 v1, v6;
	[tilespmem:s1+$0x10] =	vst v0;
	v0 =	vmul.f32 v8, v3  }
0x289: {  	[tilespmem:s0+$0xFFFFFFF0] =	vst v2;
	v3 =	vmul.f32 v7, v4;
	v2 =	vadd.f32 v5, v25  }
0x28a: {  	[tilespmem:s0+$0x0] =	vst v1;
	v0 =	vadd.f32 v0, v20  }
0x28b: {  	v1 =	vadd.f32 v3, v16;
	[tilespmem:s1+$0xFFFFFFE0] =	vst v2  }
0x28c: {  	[tilespmem:s1+$0xFFFFFFF0] =	vst v0  }
0x28d: {  	[tilespmem:s1+$0x0] =	vst v1  }
0x28e: {  	[hbm4b:s18+s3] =	stream.linear.scatter [tilespmem:s25], [sflag:$0x3], $0x2000, $0x38;
	[tilespmem:$0x18000] =	vst v63  }
0x28f: {  	_ =	swait.ge [sflag:s26], $0x2000  }
0x290: {  	[sflag:s26] =	ssyncset.done $0x0  }
0x291: {  	[sflag:s26] =	ssyncadd.s32 $0xFFFFE000  }
0x292: {  	_ =	swait.ge [sflag:s30], $0x2000  }
0x293: {  	[sflag:s30] =	ssyncset.done $0x0  }
0x294: {  	s1 =	simm.s32 $0x12020;
	[sflag:s30] =	ssyncadd.s32 $0xFFFFE000  }
0x295: {  	v0 =	vld [tilespmem:s1+$0x10];
	_ =	sdelay $0x1  }
0x296: {  	v3 =	vld [tilespmem:s1+$0xFFFFFFE0];
	_ =	sdelay $0x1  }
0x297: {  	v2 =	vld [tilespmem:s1+$0x0]  }
0x298: {  	v0 =	vmul.f32 $6.553500000e+04, v0  }
0x299: {  	v1 =	vld [tilespmem:s1+$0xFFFFFFF0]  }
0x29a: {  	v3 =	vmul.f32 $6.553500000e+04, v3;
	v4 =	vtrunc.f32 v0  }
0x29b: {  	v4 =	vcvt.f32.s32 v4  }
0x29c: {  	v2 =	vmul.f32 $6.553500000e+04, v2;
	v8 =	vtrunc.f32 v3  }
0x29d: {  	v8 =	vcvt.f32.s32 v8;
	vm0 =	vgt.s32 v4, $0x0  }
0x29e: {  	v1 =	vmul.f32 $6.553500000e+04, v1;
	v7 =	vtrunc.f32 v2;
	v4 =	vnsel vm0, $0x0, v4  }
0x29f: {  	s2 =	simm.s32 $0x12060;
	v7 =	vcvt.f32.s32 v7;
	vm0 =	vgt.s32 v8, $0x0;
	v4 =	vmin.u32 v4, $0xFFFE  }
0x2a0: {  	v9 =	vld [tilespmem:s2+$0x10];
	v8 =	vnsel vm0, $0x0, v8;
	v6 =	vadd.s32 $0x1, v4  }
0x2a1: {  	v11 =	vld [tilespmem:s2+$0xFFFFFFF0];
	v5 =	vtrunc.f32 v1;
	vm0 =	vgt.s32 v7, $0x0;
	v8 =	vmin.u32 v8, $0xFFFE  }
0x2a2: {  	v14 =	vld [tilespmem:s2+$0xFFFFFFE0];
	v5 =	vcvt.f32.s32 v5;
	v7 =	vnsel vm0, $0x0, v7;
	v15 =	vcvt.s32.f32 v8  }
0x2a3: {  	v17 =	vld [tilespmem:s2+$0x0];
	v7 =	vmin.u32 v7, $0xFFFE  }
0x2a4: {  	vm1 =	vgt.s32 v5, $0x0;
	v15 =	vsub.f32 v3, v15;
	v3 =	vcvt.s32.f32 v7;
	v10 =	vld.idx.msk [tilespmem:v4+s3+$0x0], $0xffff  }
0x2a5: {  	s4 =	simm.s32 $0x120A0;
	v9 =	vmul.f32 $6.553500000e+04, v9;
	v5 =	vnsel vm1, $0x0, v5;
	v6 =	vld.idx.msk [tilespmem:v6+s3+$0x0], $0xffff  }
0x2a6: {  	v5 =	vmin.u32 v5, $0xFFFE;
	v12 =	vadd.s32 $0x1, v8;
	v21 =	vsub.f32 v2, v3;
	v3 =	vld [tilespmem:s4+$0x10]  }
0x2a7: {  	v16 =	vcvt.s32.f32 v5;
	v4 =	vcvt.s32.f32 v4  }
0x2a8: {  	v19 =	vtrunc.f32 v9;
	v13 =	vadd.s32 $0x1, v5;
	v18 =	vadd.s32 $0x1, v7  }
0x2a9: {  	v16 =	vsub.f32 v1, v16;
	v1 =	vcvt.f32.s32 v19;
	v0 =	vsub.f32 v0, v4  }
0x2aa: {  	v4 =	vsub.f32 v6, v10;
	v6 =	vld.idx.msk [tilespmem:v8+s3+$0x0], $0xffff;
	v8 =	vmul.f32 $6.553500000e+04, v11;
	v11 =	vmul.f32 $6.553500000e+04, v14  }
0x2ab: {  	vm0 =	vgt.s32 v1, $0x0;
	v12 =	vld.idx.msk [tilespmem:v12+s3+$0x0], $0xffff;
	v14 =	vmul.f32 $6.553500000e+04, v17;
	v3 =	vmul.f32 $6.553500000e+04, v3  }
0x2ac: {  	v22 =	vld.idx.msk [tilespmem:v5+s3+$0x0], $0xffff;
	v1 =	vnsel vm0, $0x0, v1;
	v0 =	vmul.f32 v0, v4;
	v17 =	vtrunc.f32 v11  }
0x2ad: {  	v1 =	vmin.u32 v1, $0xFFFE;
	v4 =	vld.idx.msk [tilespmem:v13+s3+$0x0], $0xffff;
	v13 =	vtrunc.f32 v8;
	v17 =	vcvt.f32.s32 v17  }
0x2ae: {  	v19 =	vadd.s32 $0x1, v1;
	v2 =	vtrunc.f32 v14;
	v13 =	vcvt.f32.s32 v13  }
0x2af: {  	v58 =	vld [tilespmem:s4+$0xFFFFFFF0];
	v2 =	vcvt.f32.s32 v2;
	v20 =	vadd.f32 v0, v10;
	vm0 =	vgt.s32 v17, $0x0  }
0x2b0: {  	v0 =	vld.idx.msk [tilespmem:v7+s3+$0x0], $0xffff;
	vm1 =	vgt.s32 v13, $0x0;
	v5 =	vsub.f32 v12, v6;
	v7 =	vnsel vm0, $0x0, v17  }
0x2b1: {  	v18 =	vld.idx.msk [tilespmem:v18+s3+$0x0], $0xffff;
	v10 =	vnsel vm1, $0x0, v13;
	vm0 =	vgt.s32 v2, $0x0;
	v7 =	vmin.u32 v7, $0xFFFE  }
0x2b2: {  	v61 =	vld [tilespmem:s4+$0x0];
	v12 =	vmin.u32 v10, $0xFFFE;
	v2 =	vnsel vm0, $0x0, v2;
	v29 =	vsub.f32 v4, v22  }
0x2b3: {  	v19 =	vld.idx.msk [tilespmem:v19+s3+$0x0], $0xffff;
	v15 =	vmul.f32 v15, v5;
	v23 =	vmin.u32 v2, $0xFFFE;
	v2 =	vcvt.s32.f32 v7  }
0x2b4: {  	v17 =	vld.idx.msk [tilespmem:v1+s3+$0x0], $0xffff;
	v10 =	vadd.s32 $0x1, v7;
	v13 =	vadd.s32 $0x1, v12;
	v59 =	vcvt.s32.f32 v12  }
0x2b5: {  	v60 =	vadd.s32 $0x1, v23;
	v28 =	vcvt.s32.f32 v23;
	v2 =	vsub.f32 v11, v2;
	v11 =	vld [tilespmem:s4+$0xFFFFFFE0]  }
0x2b6: {  	v30 =	vsub.f32 v18, v0;
	v4 =	vsub.f32 v8, v59;
	v8 =	vcvt.s32.f32 v1  }
0x2b7: {  	v62 =	vmul.f32 v16, v29;
	v1 =	vsub.f32 v14, v28;
	v14 =	vtrunc.f32 v3  }
0x2b8: {  	v14 =	vcvt.f32.s32 v14;
	v16 =	vsub.f32 v9, v8;
	v8 =	vmul.f32 $6.553500000e+04, v58  }
0x2b9: {  	v6 =	vadd.f32 v15, v6;
	v18 =	vsub.f32 v19, v17;
	v5 =	vld.idx.msk [tilespmem:v7+s3+$0x0], $0xffff;
	v7 =	vmul.f32 $6.553500000e+04, v61  }
0x2ba: {  	v63 =	vld.idx.msk [tilespmem:v10+s3+$0x0], $0xffff;
	vm0 =	vgt.s32 v14, $0x0;
	v15 =	vtrunc.f32 v8;
	v9 =	vmul.f32 $6.553500000e+04, v11  }
0x2bb: {  	s2 =	simm.s32 $0x16020;
	v12 =	vld.idx.msk [tilespmem:v12+s3+$0x0], $0xffff;
	v11 =	vmul.f32 v16, v18;
	v18 =	vtrunc.f32 v7;
	v14 =	vnsel vm0, $0x0, v14  }
0x2bc: {  	[tilespmem:s2+$0x10] =	vst v20;
	v10 =	vld.idx.msk [tilespmem:v13+s3+$0x0], $0xffff;
	v20 =	vcvt.f32.s32 v15;
	v13 =	vmin.u32 v14, $0xFFFE;
	v16 =	vtrunc.f32 v9  }
0x2bd: {  	v17 =	vadd.f32 v11, v17;
	v19 =	vcvt.f32.s32 v16;
	v16 =	vadd.s32 $0x1, v13  }
0x2be: {  	s0 =	simm.s32 $0x16060;
	[tilespmem:s2+$0xFFFFFFE0] =	vst v6;
	v6 =	vld.idx.msk [tilespmem:v23+s3+$0x0], $0xffff;
	v18 =	vcvt.f32.s32 v18;
	v14 =	vmul.f32 v21, v30;
	vm1 =	vgt.s32 v20, $0x0  }
0x2bf: {  	s1 =	simm.s32 $0x8;
	s4 =	simm.s32 $0x120E0;
	v11 =	vld.idx.msk [tilespmem:v60+s3+$0x0], $0xffff;
	v15 =	vsub.f32 v63, v5;
	[tilespmem:s0+$0x10] =	vst v17;
	v17 =	vadd.f32 v62, v22;
	vm0 =	vgt.s32 v19, $0x0  }
.LBB2_16:
0x2c0: {  	v21 =	vld [tilespmem:s4+$0x10];
	s1 =	sadd.s32 $0x4, s1;
	v19 =	vnsel vm0, $0x0, v19;
	v20 =	vnsel vm1, $0x0, v20;
	vm0 =	vgt.s32 v18, $0x0;
	v22 =	vmovc v12  }
0x2c1: {  	p0 =	slt.u32 s1, $0x1FC;
	v12 =	vmin.u32 v19, $0xFFFE;
	v19 =	vmin.u32 v20, $0xFFFE;
	v18 =	vnsel vm0, $0x0, v18;
	v20 =	vld.idx.msk [tilespmem:v13+s3+$0x0], $0xffff;
	[tilespmem:s2+$0xFFFFFFF0] =	vst v17  }
0x2c2: {  	v17 =	vadd.s32 $0x1, v12;
	v23 =	vadd.s32 $0x1, v19;
	v18 =	vmin.u32 v18, $0xFFFE;
	v16 =	vld.idx.msk [tilespmem:v16+s3+$0x0], $0xffff  }
0x2c3: {  	v25 =	vcvt.s32.f32 v12;
	v26 =	vcvt.s32.f32 v19;
	v24 =	vld [tilespmem:s4+$0xFFFFFFF0];
	v27 =	vadd.s32 $0x1, v18  }
0x2c4: {  	v30 =	vsub.f32 v11, v6;
	v10 =	vsub.f32 v10, v22;
	v29 =	vcvt.s32.f32 v18;
	v28 =	vld [tilespmem:s4+$0x0]  }
0x2c5: {  	v9 =	vsub.f32 v9, v25;
	v31 =	vld [tilespmem:s4+$0xFFFFFFE0];
	v11 =	vmul.f32 $6.553500000e+04, v21;
	v21 =	vsub.f32 v8, v26  }
0x2c6: {  	v26 =	vsub.f32 v7, v29;
	v7 =	vcvt.s32.f32 v13;
	v25 =	vld.idx.msk [tilespmem:v12+s3+$0x0], $0xffff;
	v12 =	vmul.f32 v2, v15  }
0x2c7: {  	v29 =	vadd.f32 v14, v0;
	v2 =	vmovc v9;
	v8 =	vtrunc.f32 v11;
	v15 =	vld.idx.msk [tilespmem:v17+s3+$0x0], $0xffff;
	v17 =	vmul.f32 v4, v10  }
0x2c8: {  	v14 =	vsub.f32 v3, v7;
	v16 =	vsub.f32 v16, v20;
	v3 =	vmovc v11;
	v13 =	vcvt.f32.s32 v8;
	v10 =	vld.idx.msk [tilespmem:v23+s3+$0x0], $0xffff  }
0x2c9: {  	v4 =	vmovc v21;
	v8 =	vmul.f32 $6.553500000e+04, v24;
	v23 =	vadd.f32 v12, v5;
	v7 =	vmul.f32 $6.553500000e+04, v28;
	v11 =	vld.idx.msk [tilespmem:v27+s3+$0x0], $0xffff;
	[tilespmem:s2+$0x0] =	vst v29;
	s2 =	smov.u32 s0  }
0x2ca: {  	v0 =	vmovc v6;
	v14 =	vmul.f32 v14, v16;
	v9 =	vmul.f32 $6.553500000e+04, v31;
	vm0 =	vgt.s32 v13, $0x0;
	v12 =	vld.idx.msk [tilespmem:v19+s3+$0x0], $0xffff  }
.Ltmp7:
0x2cb: {  	v16 =	vtrunc.f32 v8;
	v21 =	vtrunc.f32 v7;
	v13 =	vnsel vm0, $0x0, v13;
	v6 =	vld.idx.msk [tilespmem:v18+s3+$0x0], $0xffff;
	[tilespmem:s0+$0xFFFFFFE0] =	vst v23;
	(pc) =	sbr.rel @p0 .LBB2_16-.Ltmp7, $4  }
0x2cc: {  	v14 =	vadd.f32 v14, v20;
	v5 =	vmovc v25;
	v18 =	vtrunc.f32 v9;
	v13 =	vmin.u32 v13, $0xFFFE  }
0x2cd: {  	v20 =	vcvt.f32.s32 v16;
	s0 =	sadd.s32 $0x40, s0;
	v19 =	vcvt.f32.s32 v18;
	v16 =	vadd.s32 $0x1, v13  }
0x2ce: {  	v15 =	vsub.f32 v15, v5;
	v18 =	vcvt.f32.s32 v21;
	[tilespmem:s0+$0x10] =	vst v14;
	v14 =	vmul.f32 v1, v30;
	v1 =	vmovc v26  }
0x2cf: {  	s4 =	sadd.s32 $0x40, s4;
	v17 =	vadd.f32 v17, v22;
	vm1 =	vgt.s32 v20, $0x0;
	vm0 =	vgt.s32 v19, $0x0  }
0x2d0: {  	v19 =	vnsel vm0, $0x0, v19  }
0x2d1: {  	v20 =	vnsel vm1, $0x0, v20;
	v19 =	vmin.u32 v19, $0xFFFE  }
0x2d2: {  	v20 =	vmin.u32 v20, $0xFFFE  }
0x2d3: {  	vm15 =	vgt.s32 v18, $0x0;
	v21 =	vadd.s32 $0x1, v19  }
0x2d4: {  	v23 =	vld.idx.msk [tilespmem:v13+s3+$0x0], $0xffff;
	v18 =	vnsel vm15, $0x0, v18;
	v22 =	vadd.s32 $0x1, v20  }
0x2d5: {  	v16 =	vld.idx.msk [tilespmem:v16+s3+$0x0], $0xffff;
	v18 =	vmin.u32 v18, $0xFFFE  }
0x2d6: {  	v24 =	vadd.s32 $0x1, v18;
	v25 =	vld.idx.msk [tilespmem:v19+s3+$0x0], $0xffff  }
0x2d7: {  	v53 =	vld.idx.msk [tilespmem:v20+s3+$0x0], $0xffff  }
0x2d8: {  	v21 =	vld.idx.msk [tilespmem:v21+s3+$0x0], $0xffff  }
0x2d9: {  	v52 =	vcvt.s32.f32 v13;
	v10 =	vsub.f32 v10, v12;
	v2 =	vmul.f32 v2, v15;
	v22 =	vld.idx.msk [tilespmem:v22+s3+$0x0], $0xffff  }
0x2da: {  	v11 =	vsub.f32 v11, v6;
	v26 =	vcvt.s32.f32 v20;
	v54 =	vcvt.s32.f32 v18;
	v18 =	vld.idx.msk [tilespmem:v18+s3+$0x0], $0xffff  }
0x2db: {  	v0 =	vadd.f32 v14, v0;
	v3 =	vsub.f32 v3, v52;
	v4 =	vmul.f32 v4, v10;
	v24 =	vld.idx.msk [tilespmem:v24+s3+$0x0], $0xffff  }
0x2dc: {  	v2 =	vadd.f32 v2, v5;
	v8 =	vsub.f32 v8, v26;
	v19 =	vcvt.s32.f32 v19  }
0x2dd: {  	v1 =	vmul.f32 v1, v11;
	v58 =	vadd.f32 v4, v12;
	v16 =	vsub.f32 v16, v23  }
0x2de: {  	[tilespmem:s2+$0xFFFFFFF0] =	vst v17;
	v9 =	vsub.f32 v9, v19;
	v55 =	vsub.f32 v21, v25  }
0x2df: {  	[tilespmem:s2+$0x0] =	vst v0;
	v1 =	vadd.f32 v1, v6;
	v3 =	vmul.f32 v3, v16;
	v57 =	vsub.f32 v22, v53  }
0x2e0: {  	[tilespmem:s0+$0xFFFFFFE0] =	vst v2;
	v7 =	vsub.f32 v7, v54;
	v59 =	vsub.f32 v24, v18;
	v5 =	vmul.f32 v9, v55  }
0x2e1: {  	[tilespmem:s0+$0xFFFFFFF0] =	vst v58;
	v56 =	vadd.f32 v3, v23;
	v60 =	vmul.f32 v8, v57  }
0x2e2: {  	s1 =	sadd.s32 $0x40, s0;
	[tilespmem:s0+$0x0] =	vst v1;
	v62 =	vmul.f32 v7, v59;
	v61 =	vadd.f32 v5, v25  }
0x2e3: {  	[tilespmem:s1+$0x10] =	vst v56;
	v0 =	vadd.f32 v60, v53  }
0x2e4: {  	v63 =	vadd.f32 v62, v18;
	[tilespmem:s1+$0xFFFFFFE0] =	vst v61  }
0x2e5: {  	[tilespmem:s1+$0xFFFFFFF0] =	vst v0  }
0x2e6: {  	s31 =	sadd.s32 $0x1, s31;
	[tilespmem:s1+$0x0] =	vst v63  }
0x2e7: {  	[hbm4b:s19+s3] =	stream.linear.scatter [tilespmem:s28], [sflag:$0x4], $0x2000, $0x38;
	[tilespmem:$0x18000] =	vst v63  }
0x2e8: {  	p0 =	sne.s32 s31, s20;
	_ =	swait.ge [sflag:s29], $0x2000  }
.Ltmp8:
0x2e9: {  	[sflag:s29] =	ssyncset.done $0x0;
	(pc) =	sbr.rel @p0 .LBB2_1-.Ltmp8, $4  }
0x2ea: {  	[sflag:s29] =	ssyncadd.s32 $0xFFFFE000  }
0x2eb: {  	_ =	swait.ge [sflag:s30], $0x2000  }
0x2ec: {  	[sflag:s30] =	ssyncset.done $0x0  }
0x2ed: {  	[sflag:s30] =	ssyncadd.s32 $0xFFFFE000  }
0x2ee: {  	_ =	sfence.sel $0x180000  }
0x2ef: {  	[bflag:$0x0] =	sbarrier.arrive $0xFFFF  }
0x2f0: {  	_ =	strace $0x90000047  }
0x2f1: {  	s0 =	stileid.u32;
	[bflag:$0x2] =	sbarrier.arrive $0xFFFF  }
0x2f2: {  	p0 =	sne.s32 s0, $0x0;
	s0 =	rddreg [dreg:$0x3]  }
0x2f3: {  	s0 =	sadd.s32 @!p0 $0x100000, s0  }
0x2f4: {  	[sflag:s0] =	ssyncadd.tile.s32 @!p0 $0x1;
	_ =	shalt  }
.Lfunc_end2:
_tile_overlayer_lowered:
.L_overlay_start_2:
0x2f5: {  	(tag) =	ssettag $0x2  }
0x2f6: {  	s0 =	rddreg [dreg:$0x0];
	s2 =	stileid.u32  }
0x2f7: {  	s1 =	rddreg [dreg:$0x1];
	p0 =	sne.s32 s2, $0x0  }
0x2f8: {  	s3 =	rddreg [dreg:$0x2];
	[bflag:$0x3] =	sbarrier.arrive $0xFFFF;
	s2 =	simm.s32 @!p0 $0x1C05  }
0x2f9: {  	[timem:s3], [sflag:s2] =	dma.local @!p0 [hbm:s0], s1  }
0x2fa: {  	s0 =	simm.s32 @!p0 $0x5  }
0x2fb: {  	_ =	swait.ge @!p0 [sflag:s0], s1  }
0x2fc: {  	s1 =	ssub.s32 @!p0 $0x0, s1;
	[sflag:s0] =	ssyncset.done @!p0 $0x0  }
0x2fd: {  	[sflag:s0] =	ssyncadd.s32 @!p0 s1  }
0x2fe: {  	[bflag:$0x3] =	sbarrier.arrive $0xFFFF  }
0x2ff: {  	_ =	shalt  }

</sc_bundles>
